<compile_context>
chip_gen: v7x
topology: tpu7x:2x2x1
jax: 0.10.2.dev20260603
libtpu: 0.0.44.dev20260713+nightly
codegen_flags: <defaults>
</compile_context>

<pallas_src>
import functools

import jax
import jax.numpy as jnp
from jax import lax
from jax.experimental import pallas as pl
from jax.experimental.pallas import tpu as pltpu
from jax.experimental.pallas import tpu_sc as plsc

_LANES = 16
_CH = 8
_NBUF = 3
_S_SC = 1280
_TC_BLOCK = 256


@functools.partial(jax.jit, static_argnums=(1,))
def _rowsum_sc(pos_table, s_rows):
    info = plsc.get_sparse_core_info()
    nc, ns = info.num_cores, info.num_subcores
    nw = nc * ns
    d = pos_table.shape[1]
    rows_w = s_rows // nw
    nch = rows_w // _CH
    mesh = plsc.VectorSubcoreMesh(core_axis_name="c", subcore_axis_name="s")

    @functools.partial(
        pl.kernel,
        mesh=mesh,
        out_type=jax.ShapeDtypeStruct((s_rows, _LANES), jnp.float32),
        scratch_types=[
            pltpu.VMEM((_NBUF, _CH, d), jnp.float32),
            pltpu.VMEM((rows_w, _LANES), jnp.float32),
        ] + [pltpu.SemaphoreType.DMA] * _NBUF,
    )
    def rowsum(table_hbm, out_hbm, bufs, sums_v, *sems):
        wid = lax.axis_index("s") * nc + lax.axis_index("c")
        base = wid * rows_w
        handles = [None] * _NBUF
        for p in range(min(_NBUF - 1, nch)):
            handles[p] = pltpu.async_copy(
                table_hbm.at[pl.ds(base + p * _CH, _CH)], bufs.at[p], sems[p])
        for c in range(nch):
            k = c % _NBUF
            handles[k].wait()
            nxt = c + _NBUF - 1
            if nxt < nch:
                handles[nxt % _NBUF] = pltpu.async_copy(
                    table_hbm.at[pl.ds(base + nxt * _CH, _CH)],
                    bufs.at[nxt % _NBUF], sems[nxt % _NBUF])

            @plsc.parallel_loop(0, _CH)
            def row_loop(r, k=k, c=c):
                buf = bufs.at[k]

                def inner(j, accs):
                    col = j * 128
                    return tuple(
                        accs[t] + buf[r, pl.ds(col + 16 * t, _LANES)]
                        for t in range(8))

                z = jnp.zeros((_LANES,), jnp.float32)
                accs = lax.fori_loop(0, d // 128, inner, (z,) * 8)
                acc = (((accs[0] + accs[1]) + (accs[2] + accs[3]))
                       + ((accs[4] + accs[5]) + (accs[6] + accs[7])))
                sums_v[c * _CH + r, :] = acc

        pltpu.sync_copy(sums_v, out_hbm.at[pl.ds(base, rows_w)])

    return rowsum(pos_table)


def _rowsum_tc_body(t_ref, o_ref):
    d = t_ref.shape[1]
    ones = jnp.ones((1, d), jnp.float32)
    o_ref[...] = lax.dot_general(
        ones, t_ref[...], (((1,), (1,)), ((), ())),
        preferred_element_type=jnp.float32)


@functools.partial(jax.jit, static_argnums=(1, 2))
def _rowsum_tc(pos_table, lo, hi):
    d = pos_table.shape[1]
    nb = (hi - lo) // _TC_BLOCK
    return pl.pallas_call(
        _rowsum_tc_body,
        grid=(nb,),
        in_specs=[pl.BlockSpec((_TC_BLOCK, d),
                               lambda i: (i + lo // _TC_BLOCK, 0))],
        out_specs=pl.BlockSpec((1, _TC_BLOCK), lambda i: (0, i)),
        out_shape=jax.ShapeDtypeStruct((1, hi - lo), jnp.float32),
    )(pos_table)


def _ln_body(x_ref, pa_ref, pb_ref, g_ref, b_ref, o_ref):
    d = x_ref.shape[1]
    ones = jnp.ones((1, _LANES), jnp.float32)
    sa = lax.dot_general(
        ones, pa_ref[...], (((1,), (1,)), ((), ())),
        preferred_element_type=jnp.float32)
    pe_mean = jnp.concatenate([sa, pb_ref[...]], axis=1) * (1.0 / d)
    y = x_ref[...] + pe_mean
    mu = jnp.mean(y, axis=1, keepdims=True)
    dev = y - mu
    var = jnp.mean(dev * dev, axis=1, keepdims=True)
    o_ref[...] = dev * lax.rsqrt(var + 1e-5) * g_ref[...] + b_ref[...]


def kernel(x, pos_table, ln_gamma, ln_beta):
    b, s = x.shape
    partial_a = _rowsum_sc(pos_table, _S_SC)
    sums_b = _rowsum_tc(pos_table, _S_SC, s)
    g = ln_gamma.reshape(1, s)
    bt = ln_beta.reshape(1, s)
    return pl.pallas_call(
        _ln_body,
        out_shape=jax.ShapeDtypeStruct((b, s), jnp.float32),
    )(x, partial_a, sums_b, g, bt)

# --- scband reference (transcript-rebuilt; emitter-appended) ---
"""Pipeline reference for scband-learned-positional-encodingv2-53730040873756 (READ-ONLY COPY).

The authoritative reference and input builder live on the scoring server;
editing this copy changes nothing except your own understanding.
"""

import jax, jax.numpy as jnp
import numpy as np

D_MODEL = 4096
MAX_LEN = 8192
BATCH = 4
SEQ = 4096


def setup_inputs(seed: int = 0) -> dict:
    key = jax.random.key(seed)
    k1, k2, k3 = jax.random.split(key, 3)
    x = jax.random.normal(k1, (BATCH, SEQ), dtype=jnp.float32)
    # nn.Embedding default init: N(0, 1)
    pos_table = jax.random.normal(k2, (MAX_LEN, D_MODEL), dtype=jnp.float32)
    # nn.LayerNorm default: weight ones, bias zeros
    ln_gamma = jnp.ones((D_MODEL,), dtype=jnp.float32)
    ln_beta = jnp.zeros((D_MODEL,), dtype=jnp.float32)
    return {"x": x, "pos_table": pos_table, "ln_gamma": ln_gamma, "ln_beta": ln_beta}


def reference(x, pos_table, ln_gamma, ln_beta):
    B, S = x.shape
    positions = jnp.arange(S, dtype=jnp.int64 if jax.config.jax_enable_x64 else jnp.int32)
    positions = jnp.broadcast_to(positions[None, :], (B, S))
    # embedding gather (SparseCore-friendly)
    pe = jnp.take(pos_table, positions, axis=0)  # [B, S, d_model]
    pe = pe.reshape(B, S, -1)
    # dimension check from original module: pe.shape[2] must equal x.shape[1]
    assert pe.shape[2] == x.shape[1]
    pe_mean = pe.mean(axis=2)  # [B, S]
    y = x + pe_mean
    # dropout p=0.0 -> identity
    mean = y.mean(axis=-1, keepdims=True)
    var = jnp.mean((y - mean) ** 2, axis=-1, keepdims=True)
    normed = (y - mean) / jnp.sqrt(var + 1e-5)
    return normed * ln_gamma + ln_beta

if __name__ == "__main__":
    import jax
    _d = setup_inputs()
    print(jax.jit(kernel)(*tuple(_d.values())))

</pallas_src>

<mosaic_0001>
#map = affine_map<(d0, d1) -> (0, 0)>
module attributes {stable_mosaic.version = 14 : i64} {
  func.func @rowsum(%arg0: i32, %arg1: i32, %arg2: memref<8192x4096xf32, #tpu.memory_space<hbm>>, %arg3: memref<1280x16xf32, #tpu.memory_space<hbm>>, %arg4: memref<3x8x4096xf32, #tpu.memory_space<vmem>>, %arg5: memref<40x16xf32, #tpu.memory_space<vmem>>, %arg6: memref<!tpu.dma_semaphore, #tpu.memory_space<semaphore_mem>>, %arg7: memref<!tpu.dma_semaphore, #tpu.memory_space<semaphore_mem>>, %arg8: memref<!tpu.dma_semaphore, #tpu.memory_space<semaphore_mem>>) attributes {dimension_semantics = [#tpu.dimension_semantics<core_parallel>, #tpu.dimension_semantics<subcore_parallel>], iteration_bounds = array<i64: 2, 16>, scalar_prefetch = 0 : i64, scratch_operands = 5 : i64, tpu.core_type = #tpu.core_type<sc_vector_subcore>, window_params = [{transform_indices = #map}, {transform_indices = #map}]} {
    %mul3A = arith.constant 2 : i32
    %mul3A_0 = arith.muli %arg1, %mul3A : i32
    %add3A = arith.addi %mul3A_0, %arg0 : i32
    %mul3A_1 = arith.constant 40 : i32
    %mul3A_2 = arith.muli %add3A, %mul3A_1 : i32
    %add3A_3 = arith.constant 0 : i32
    %add3A_4 = arith.addi %mul3A_2, %add3A_3 : i32
    %dma_start3A = arith.constant 0 : i32
    %dma_start3A_5 = arith.constant 0 : i32
    %dma_start3A_6 = arith.constant 0 : i32
    %dma_start3A_7 = tpu.memref_slice %arg4[%dma_start3A, %dma_start3A_5, %dma_start3A_6] : memref<3x8x4096xf32, #tpu.memory_space<vmem>> -> memref<1x8x4096xf32, #tpu.memory_space<vmem>>
    %dma_start3A_8 = tpu.memref_squeeze %dma_start3A_7 : memref<1x8x4096xf32, #tpu.memory_space<vmem>> -> memref<8x4096xf32, #tpu.memory_space<vmem>>
    %dma_start3A_9 = arith.constant 0 : i32
    %dma_start3A_10 = tpu.memref_slice %arg2[%add3A_4, %dma_start3A_9] : memref<8192x4096xf32, #tpu.memory_space<hbm>> -> memref<8x4096xf32, #tpu.memory_space<hbm>>
    %dma_start3A_11 = arith.constant 0 : i32
    %dma_start3A_12 = arith.constant 0 : i32
    %dma_start3A_13 = tpu.memref_slice %arg4[%dma_start3A, %dma_start3A_11, %dma_start3A_12] : memref<3x8x4096xf32, #tpu.memory_space<vmem>> -> memref<1x8x4096xf32, #tpu.memory_space<vmem>>
    %dma_start3A_14 = tpu.memref_squeeze %dma_start3A_13 : memref<1x8x4096xf32, #tpu.memory_space<vmem>> -> memref<8x4096xf32, #tpu.memory_space<vmem>>
    %dma_start3A_15 = arith.constant 0 : i32
    %dma_start3A_16 = tpu.memref_slice %arg2[%add3A_4, %dma_start3A_15] : memref<8192x4096xf32, #tpu.memory_space<hbm>> -> memref<8x4096xf32, #tpu.memory_space<hbm>>
    tpu.enqueue_dma source(%dma_start3A_16 : memref<8x4096xf32, #tpu.memory_space<hbm>>) target(%dma_start3A_14 : memref<8x4096xf32, #tpu.memory_space<vmem>>) target_semaphore(%arg6 : memref<!tpu.dma_semaphore, #tpu.memory_space<semaphore_mem>>)
    %add3A_17 = arith.constant 8 : i32
    %add3A_18 = arith.addi %mul3A_2, %add3A_17 : i32
    %dma_start3A_19 = arith.constant 1 : i32
    %dma_start3A_20 = arith.constant 0 : i32
    %dma_start3A_21 = arith.constant 0 : i32
    %dma_start3A_22 = tpu.memref_slice %arg4[%dma_start3A_19, %dma_start3A_20, %dma_start3A_21] : memref<3x8x4096xf32, #tpu.memory_space<vmem>> -> memref<1x8x4096xf32, #tpu.memory_space<vmem>>
    %dma_start3A_23 = tpu.memref_squeeze %dma_start3A_22 : memref<1x8x4096xf32, #tpu.memory_space<vmem>> -> memref<8x4096xf32, #tpu.memory_space<vmem>>
    %dma_start3A_24 = arith.constant 0 : i32
    %dma_start3A_25 = tpu.memref_slice %arg2[%add3A_18, %dma_start3A_24] : memref<8192x4096xf32, #tpu.memory_space<hbm>> -> memref<8x4096xf32, #tpu.memory_space<hbm>>
    %dma_start3A_26 = arith.constant 0 : i32
    %dma_start3A_27 = arith.constant 0 : i32
    %dma_start3A_28 = tpu.memref_slice %arg4[%dma_start3A_19, %dma_start3A_26, %dma_start3A_27] : memref<3x8x4096xf32, #tpu.memory_space<vmem>> -> memref<1x8x4096xf32, #tpu.memory_space<vmem>>
    %dma_start3A_29 = tpu.memref_squeeze %dma_start3A_28 : memref<1x8x4096xf32, #tpu.memory_space<vmem>> -> memref<8x4096xf32, #tpu.memory_space<vmem>>
    %dma_start3A_30 = arith.constant 0 : i32
    %dma_start3A_31 = tpu.memref_slice %arg2[%add3A_18, %dma_start3A_30] : memref<8192x4096xf32, #tpu.memory_space<hbm>> -> memref<8x4096xf32, #tpu.memory_space<hbm>>
    tpu.enqueue_dma source(%dma_start3A_31 : memref<8x4096xf32, #tpu.memory_space<hbm>>) target(%dma_start3A_29 : memref<8x4096xf32, #tpu.memory_space<vmem>>) target_semaphore(%arg7 : memref<!tpu.dma_semaphore, #tpu.memory_space<semaphore_mem>>)
    %dma_wait3A = arith.constant 0 : i32
    %dma_wait3A_32 = arith.constant 0 : i32
    %dma_wait3A_33 = arith.constant 0 : i32
    %dma_wait3A_34 = tpu.memref_slice %arg4[%dma_wait3A, %dma_wait3A_32, %dma_wait3A_33] : memref<3x8x4096xf32, #tpu.memory_space<vmem>> -> memref<1x8x4096xf32, #tpu.memory_space<vmem>>
    %dma_wait3A_35 = tpu.memref_squeeze %dma_wait3A_34 : memref<1x8x4096xf32, #tpu.memory_space<vmem>> -> memref<8x4096xf32, #tpu.memory_space<vmem>>
    %dma_wait3A_36 = arith.constant 0 : i32
    %dma_wait3A_37 = tpu.memref_slice %arg2[%add3A_4, %dma_wait3A_36] : memref<8192x4096xf32, #tpu.memory_space<hbm>> -> memref<8x4096xf32, #tpu.memory_space<hbm>>
    %dma_wait3A_38 = arith.constant 0 : i32
    %dma_wait3A_39 = arith.constant 0 : i32
    %dma_wait3A_40 = tpu.memref_slice %arg4[%dma_wait3A, %dma_wait3A_38, %dma_wait3A_39] : memref<3x8x4096xf32, #tpu.memory_space<vmem>> -> memref<1x8x4096xf32, #tpu.memory_space<vmem>>
    %dma_wait3A_41 = tpu.memref_squeeze %dma_wait3A_40 : memref<1x8x4096xf32, #tpu.memory_space<vmem>> -> memref<8x4096xf32, #tpu.memory_space<vmem>>
    %dma_wait3A_42 = arith.constant 0 : i32
    %dma_wait3A_43 = tpu.memref_slice %arg2[%add3A_4, %dma_wait3A_42] : memref<8192x4096xf32, #tpu.memory_space<hbm>> -> memref<8x4096xf32, #tpu.memory_space<hbm>>
    tpu.wait_dma2 semaphore(%arg6 : memref<!tpu.dma_semaphore, #tpu.memory_space<semaphore_mem>>) src(%dma_wait3A_43 : memref<8x4096xf32, #tpu.memory_space<hbm>>) dst(%dma_wait3A_41 : memref<8x4096xf32, #tpu.memory_space<vmem>>)
    %add3A_44 = arith.constant 16 : i32
    %add3A_45 = arith.addi %mul3A_2, %add3A_44 : i32
    %dma_start3A_46 = arith.constant 2 : i32
    %dma_start3A_47 = arith.constant 0 : i32
    %dma_start3A_48 = arith.constant 0 : i32
    %dma_start3A_49 = tpu.memref_slice %arg4[%dma_start3A_46, %dma_start3A_47, %dma_start3A_48] : memref<3x8x4096xf32, #tpu.memory_space<vmem>> -> memref<1x8x4096xf32, #tpu.memory_space<vmem>>
    %dma_start3A_50 = tpu.memref_squeeze %dma_start3A_49 : memref<1x8x4096xf32, #tpu.memory_space<vmem>> -> memref<8x4096xf32, #tpu.memory_space<vmem>>
    %dma_start3A_51 = arith.constant 0 : i32
    %dma_start3A_52 = tpu.memref_slice %arg2[%add3A_45, %dma_start3A_51] : memref<8192x4096xf32, #tpu.memory_space<hbm>> -> memref<8x4096xf32, #tpu.memory_space<hbm>>
    %dma_start3A_53 = arith.constant 0 : i32
    %dma_start3A_54 = arith.constant 0 : i32
    %dma_start3A_55 = tpu.memref_slice %arg4[%dma_start3A_46, %dma_start3A_53, %dma_start3A_54] : memref<3x8x4096xf32, #tpu.memory_space<vmem>> -> memref<1x8x4096xf32, #tpu.memory_space<vmem>>
    %dma_start3A_56 = tpu.memref_squeeze %dma_start3A_55 : memref<1x8x4096xf32, #tpu.memory_space<vmem>> -> memref<8x4096xf32, #tpu.memory_space<vmem>>
    %dma_start3A_57 = arith.constant 0 : i32
    %dma_start3A_58 = tpu.memref_slice %arg2[%add3A_45, %dma_start3A_57] : memref<8192x4096xf32, #tpu.memory_space<hbm>> -> memref<8x4096xf32, #tpu.memory_space<hbm>>
    tpu.enqueue_dma source(%dma_start3A_58 : memref<8x4096xf32, #tpu.memory_space<hbm>>) target(%dma_start3A_56 : memref<8x4096xf32, #tpu.memory_space<vmem>>) target_semaphore(%arg8 : memref<!tpu.dma_semaphore, #tpu.memory_space<semaphore_mem>>)
    %parallel_loop3A = arith.constant 0 : i32
    %parallel_loop3A_59 = arith.constant 8 : i32
    %parallel_loop3A_60 = arith.constant 1 : i32
    scf.for %parallel_loop3A_155 = %parallel_loop3A to %parallel_loop3A_59 step %parallel_loop3A_60  : i32 {
      %parallel_loop3A_156 = arith.constant 0.000000e+00 : f32
      %parallel_loop3A_157 = vector.broadcast %parallel_loop3A_156 : f32 to vector<16xf32>
      %parallel_loop3A_158 = arith.constant 0 : i32
      %parallel_loop3A_159 = arith.constant 0 : i32
      %parallel_loop3A_160 = arith.constant 32 : i32
      %parallel_loop3A_161 = arith.addi %parallel_loop3A_159, %parallel_loop3A_160 : i32
      %parallel_loop3A_162 = arith.constant 1 : i32
      %parallel_loop3A_163:8 = scf.for %scan3A = %parallel_loop3A_159 to %parallel_loop3A_161 step %parallel_loop3A_162 iter_args(%scan3A_179 = %parallel_loop3A_157, %scan3A_180 = %parallel_loop3A_157, %scan3A_181 = %parallel_loop3A_157, %scan3A_182 = %parallel_loop3A_157, %scan3A_183 = %parallel_loop3A_157, %scan3A_184 = %parallel_loop3A_157, %scan3A_185 = %parallel_loop3A_157, %scan3A_186 = %parallel_loop3A_157) -> (vector<16xf32>, vector<16xf32>, vector<16xf32>, vector<16xf32>, vector<16xf32>, vector<16xf32>, vector<16xf32>, vector<16xf32>)  : i32 {
        %parallel_loop3A_187 = arith.constant 128 : i32
        %parallel_loop3A_188 = arith.muli %scan3A, %parallel_loop3A_187 : i32
        %parallel_loop3A_189 = arith.constant 0 : i32
        %parallel_loop3A_190 = arith.addi %parallel_loop3A_188, %parallel_loop3A_189 : i32
        %parallel_loop3A_191 = arith.constant 0 : i32
        %parallel_loop3A_192 = arith.constant 0 : i32
        %parallel_loop3A_193 = tpu.memref_slice %arg4[%parallel_loop3A_158, %parallel_loop3A_191, %parallel_loop3A_192] : memref<3x8x4096xf32, #tpu.memory_space<vmem>> -> memref<1x8x4096xf32, #tpu.memory_space<vmem>>
        %parallel_loop3A_194 = tpu.memref_squeeze %parallel_loop3A_193 : memref<1x8x4096xf32, #tpu.memory_space<vmem>> -> memref<8x4096xf32, #tpu.memory_space<vmem>>
        %parallel_loop3A_195 = arith.index_cast %parallel_loop3A_155 : i32 to index
        %parallel_loop3A_196 = arith.index_cast %parallel_loop3A_190 : i32 to index
        %parallel_loop3A_197 = tpu.vector_load %parallel_loop3A_194[%parallel_loop3A_195, %parallel_loop3A_196] {strides = array<i32>} : memref<8x4096xf32, #tpu.memory_space<vmem>>, vector<1x16xf32>,
        %parallel_loop3A_198 = vector.shape_cast %parallel_loop3A_197 : vector<1x16xf32> to vector<16xf32>
        %parallel_loop3A_199 = arith.addf %scan3A_179, %parallel_loop3A_198 : vector<16xf32>
        %parallel_loop3A_200 = arith.constant 16 : i32
        %parallel_loop3A_201 = arith.addi %parallel_loop3A_188, %parallel_loop3A_200 : i32
        %parallel_loop3A_202 = arith.constant 0 : i32
        %parallel_loop3A_203 = arith.constant 0 : i32
        %parallel_loop3A_204 = tpu.memref_slice %arg4[%parallel_loop3A_158, %parallel_loop3A_202, %parallel_loop3A_203] : memref<3x8x4096xf32, #tpu.memory_space<vmem>> -> memref<1x8x4096xf32, #tpu.memory_space<vmem>>
        %parallel_loop3A_205 = tpu.memref_squeeze %parallel_loop3A_204 : memref<1x8x4096xf32, #tpu.memory_space<vmem>> -> memref<8x4096xf32, #tpu.memory_space<vmem>>
        %parallel_loop3A_206 = arith.index_cast %parallel_loop3A_155 : i32 to index
        %parallel_loop3A_207 = arith.index_cast %parallel_loop3A_201 : i32 to index
        %parallel_loop3A_208 = tpu.vector_load %parallel_loop3A_205[%parallel_loop3A_206, %parallel_loop3A_207] {strides = array<i32>} : memref<8x4096xf32, #tpu.memory_space<vmem>>, vector<1x16xf32>,
        %parallel_loop3A_209 = vector.shape_cast %parallel_loop3A_208 : vector<1x16xf32> to vector<16xf32>
        %parallel_loop3A_210 = arith.addf %scan3A_180, %parallel_loop3A_209 : vector<16xf32>
        %parallel_loop3A_211 = arith.constant 32 : i32
        %parallel_loop3A_212 = arith.addi %parallel_loop3A_188, %parallel_loop3A_211 : i32
        %parallel_loop3A_213 = arith.constant 0 : i32
        %parallel_loop3A_214 = arith.constant 0 : i32
        %parallel_loop3A_215 = tpu.memref_slice %arg4[%parallel_loop3A_158, %parallel_loop3A_213, %parallel_loop3A_214] : memref<3x8x4096xf32, #tpu.memory_space<vmem>> -> memref<1x8x4096xf32, #tpu.memory_space<vmem>>
        %parallel_loop3A_216 = tpu.memref_squeeze %parallel_loop3A_215 : memref<1x8x4096xf32, #tpu.memory_space<vmem>> -> memref<8x4096xf32, #tpu.memory_space<vmem>>
        %parallel_loop3A_217 = arith.index_cast %parallel_loop3A_155 : i32 to index
        %parallel_loop3A_218 = arith.index_cast %parallel_loop3A_212 : i32 to index
        %parallel_loop3A_219 = tpu.vector_load %parallel_loop3A_216[%parallel_loop3A_217, %parallel_loop3A_218] {strides = array<i32>} : memref<8x4096xf32, #tpu.memory_space<vmem>>, vector<1x16xf32>,
        %parallel_loop3A_220 = vector.shape_cast %parallel_loop3A_219 : vector<1x16xf32> to vector<16xf32>
        %parallel_loop3A_221 = arith.addf %scan3A_181, %parallel_loop3A_220 : vector<16xf32>
        %parallel_loop3A_222 = arith.constant 48 : i32
        %parallel_loop3A_223 = arith.addi %parallel_loop3A_188, %parallel_loop3A_222 : i32
        %parallel_loop3A_224 = arith.constant 0 : i32
        %parallel_loop3A_225 = arith.constant 0 : i32
        %parallel_loop3A_226 = tpu.memref_slice %arg4[%parallel_loop3A_158, %parallel_loop3A_224, %parallel_loop3A_225] : memref<3x8x4096xf32, #tpu.memory_space<vmem>> -> memref<1x8x4096xf32, #tpu.memory_space<vmem>>
        %parallel_loop3A_227 = tpu.memref_squeeze %parallel_loop3A_226 : memref<1x8x4096xf32, #tpu.memory_space<vmem>> -> memref<8x4096xf32, #tpu.memory_space<vmem>>
        %parallel_loop3A_228 = arith.index_cast %parallel_loop3A_155 : i32 to index
        %parallel_loop3A_229 = arith.index_cast %parallel_loop3A_223 : i32 to index
        %parallel_loop3A_230 = tpu.vector_load %parallel_loop3A_227[%parallel_loop3A_228, %parallel_loop3A_229] {strides = array<i32>} : memref<8x4096xf32, #tpu.memory_space<vmem>>, vector<1x16xf32>,
        %parallel_loop3A_231 = vector.shape_cast %parallel_loop3A_230 : vector<1x16xf32> to vector<16xf32>
        %parallel_loop3A_232 = arith.addf %scan3A_182, %parallel_loop3A_231 : vector<16xf32>
        %parallel_loop3A_233 = arith.constant 64 : i32
        %parallel_loop3A_234 = arith.addi %parallel_loop3A_188, %parallel_loop3A_233 : i32
        %parallel_loop3A_235 = arith.constant 0 : i32
        %parallel_loop3A_236 = arith.constant 0 : i32
        %parallel_loop3A_237 = tpu.memref_slice %arg4[%parallel_loop3A_158, %parallel_loop3A_235, %parallel_loop3A_236] : memref<3x8x4096xf32, #tpu.memory_space<vmem>> -> memref<1x8x4096xf32, #tpu.memory_space<vmem>>
        %parallel_loop3A_238 = tpu.memref_squeeze %parallel_loop3A_237 : memref<1x8x4096xf32, #tpu.memory_space<vmem>> -> memref<8x4096xf32, #tpu.memory_space<vmem>>
        %parallel_loop3A_239 = arith.index_cast %parallel_loop3A_155 : i32 to index
        %parallel_loop3A_240 = arith.index_cast %parallel_loop3A_234 : i32 to index
        %parallel_loop3A_241 = tpu.vector_load %parallel_loop3A_238[%parallel_loop3A_239, %parallel_loop3A_240] {strides = array<i32>} : memref<8x4096xf32, #tpu.memory_space<vmem>>, vector<1x16xf32>,
        %parallel_loop3A_242 = vector.shape_cast %parallel_loop3A_241 : vector<1x16xf32> to vector<16xf32>
        %parallel_loop3A_243 = arith.addf %scan3A_183, %parallel_loop3A_242 : vector<16xf32>
        %parallel_loop3A_244 = arith.constant 80 : i32
        %parallel_loop3A_245 = arith.addi %parallel_loop3A_188, %parallel_loop3A_244 : i32
        %parallel_loop3A_246 = arith.constant 0 : i32
        %parallel_loop3A_247 = arith.constant 0 : i32
        %parallel_loop3A_248 = tpu.memref_slice %arg4[%parallel_loop3A_158, %parallel_loop3A_246, %parallel_loop3A_247] : memref<3x8x4096xf32, #tpu.memory_space<vmem>> -> memref<1x8x4096xf32, #tpu.memory_space<vmem>>
        %parallel_loop3A_249 = tpu.memref_squeeze %parallel_loop3A_248 : memref<1x8x4096xf32, #tpu.memory_space<vmem>> -> memref<8x4096xf32, #tpu.memory_space<vmem>>
        %parallel_loop3A_250 = arith.index_cast %parallel_loop3A_155 : i32 to index
        %parallel_loop3A_251 = arith.index_cast %parallel_loop3A_245 : i32 to index
        %parallel_loop3A_252 = tpu.vector_load %parallel_loop3A_249[%parallel_loop3A_250, %parallel_loop3A_251] {strides = array<i32>} : memref<8x4096xf32, #tpu.memory_space<vmem>>, vector<1x16xf32>,
        %parallel_loop3A_253 = vector.shape_cast %parallel_loop3A_252 : vector<1x16xf32> to vector<16xf32>
        %parallel_loop3A_254 = arith.addf %scan3A_184, %parallel_loop3A_253 : vector<16xf32>
        %parallel_loop3A_255 = arith.constant 96 : i32
        %parallel_loop3A_256 = arith.addi %parallel_loop3A_188, %parallel_loop3A_255 : i32
        %parallel_loop3A_257 = arith.constant 0 : i32
        %parallel_loop3A_258 = arith.constant 0 : i32
        %parallel_loop3A_259 = tpu.memref_slice %arg4[%parallel_loop3A_158, %parallel_loop3A_257, %parallel_loop3A_258] : memref<3x8x4096xf32, #tpu.memory_space<vmem>> -> memref<1x8x4096xf32, #tpu.memory_space<vmem>>
        %parallel_loop3A_260 = tpu.memref_squeeze %parallel_loop3A_259 : memref<1x8x4096xf32, #tpu.memory_space<vmem>> -> memref<8x4096xf32, #tpu.memory_space<vmem>>
        %parallel_loop3A_261 = arith.index_cast %parallel_loop3A_155 : i32 to index
        %parallel_loop3A_262 = arith.index_cast %parallel_loop3A_256 : i32 to index
        %parallel_loop3A_263 = tpu.vector_load %parallel_loop3A_260[%parallel_loop3A_261, %parallel_loop3A_262] {strides = array<i32>} : memref<8x4096xf32, #tpu.memory_space<vmem>>, vector<1x16xf32>,
        %parallel_loop3A_264 = vector.shape_cast %parallel_loop3A_263 : vector<1x16xf32> to vector<16xf32>
        %parallel_loop3A_265 = arith.addf %scan3A_185, %parallel_loop3A_264 : vector<16xf32>
        %parallel_loop3A_266 = arith.constant 112 : i32
        %parallel_loop3A_267 = arith.addi %parallel_loop3A_188, %parallel_loop3A_266 : i32
        %parallel_loop3A_268 = arith.constant 0 : i32
        %parallel_loop3A_269 = arith.constant 0 : i32
        %parallel_loop3A_270 = tpu.memref_slice %arg4[%parallel_loop3A_158, %parallel_loop3A_268, %parallel_loop3A_269] : memref<3x8x4096xf32, #tpu.memory_space<vmem>> -> memref<1x8x4096xf32, #tpu.memory_space<vmem>>
        %parallel_loop3A_271 = tpu.memref_squeeze %parallel_loop3A_270 : memref<1x8x4096xf32, #tpu.memory_space<vmem>> -> memref<8x4096xf32, #tpu.memory_space<vmem>>
        %parallel_loop3A_272 = arith.index_cast %parallel_loop3A_155 : i32 to index
        %parallel_loop3A_273 = arith.index_cast %parallel_loop3A_267 : i32 to index
        %parallel_loop3A_274 = tpu.vector_load %parallel_loop3A_271[%parallel_loop3A_272, %parallel_loop3A_273] {strides = array<i32>} : memref<8x4096xf32, #tpu.memory_space<vmem>>, vector<1x16xf32>,
        %parallel_loop3A_275 = vector.shape_cast %parallel_loop3A_274 : vector<1x16xf32> to vector<16xf32>
        %parallel_loop3A_276 = arith.addf %scan3A_186, %parallel_loop3A_275 : vector<16xf32>
        scf.yield %parallel_loop3A_199, %parallel_loop3A_210, %parallel_loop3A_221, %parallel_loop3A_232, %parallel_loop3A_243, %parallel_loop3A_254, %parallel_loop3A_265, %parallel_loop3A_276 : vector<16xf32>, vector<16xf32>, vector<16xf32>, vector<16xf32>, vector<16xf32>, vector<16xf32>, vector<16xf32>, vector<16xf32>
      }
      %parallel_loop3A_164 = arith.constant 32 : i32
      %parallel_loop3A_165 = arith.addf %parallel_loop3A_163#0, %parallel_loop3A_163#1 : vector<16xf32>
      %parallel_loop3A_166 = arith.addf %parallel_loop3A_163#2, %parallel_loop3A_163#3 : vector<16xf32>
      %parallel_loop3A_167 = arith.addf %parallel_loop3A_165, %parallel_loop3A_166 : vector<16xf32>
      %parallel_loop3A_168 = arith.addf %parallel_loop3A_163#4, %parallel_loop3A_163#5 : vector<16xf32>
      %parallel_loop3A_169 = arith.addf %parallel_loop3A_163#6, %parallel_loop3A_163#7 : vector<16xf32>
      %parallel_loop3A_170 = arith.addf %parallel_loop3A_168, %parallel_loop3A_169 : vector<16xf32>
      %parallel_loop3A_171 = arith.addf %parallel_loop3A_167, %parallel_loop3A_170 : vector<16xf32>
      %parallel_loop3A_172 = arith.constant 0 : i32
      %parallel_loop3A_173 = arith.addi %parallel_loop3A_172, %parallel_loop3A_155 : i32
      %parallel_loop3A_174 = arith.index_cast %parallel_loop3A_173 : i32 to index
      %parallel_loop3A_175 = arith.constant 0 : index
      %parallel_loop3A_176 = tpu.vector_load %arg5[%parallel_loop3A_174, %parallel_loop3A_175] {strides = array<i32>} : memref<40x16xf32, #tpu.memory_space<vmem>>, vector<1x16xf32>,
      %parallel_loop3A_177 = vector.shape_cast %parallel_loop3A_176 : vector<1x16xf32> to vector<16xf32>
      %parallel_loop3A_178 = vector.shape_cast %parallel_loop3A_171 : vector<16xf32> to vector<1x16xf32>
      tpu.vector_store %arg5[%parallel_loop3A_174, %parallel_loop3A_175], %parallel_loop3A_178 {strides = array<i32>} : memref<40x16xf32, #tpu.memory_space<vmem>>, vector<1x16xf32>,
    } {sc.loop_unroll_factor = 1 : i64, sc.parallel_access}
    %dma_wait3A_61 = arith.constant 1 : i32
    %dma_wait3A_62 = arith.constant 0 : i32
    %dma_wait3A_63 = arith.constant 0 : i32
    %dma_wait3A_64 = tpu.memref_slice %arg4[%dma_wait3A_61, %dma_wait3A_62, %dma_wait3A_63] : memref<3x8x4096xf32, #tpu.memory_space<vmem>> -> memref<1x8x4096xf32, #tpu.memory_space<vmem>>
    %dma_wait3A_65 = tpu.memref_squeeze %dma_wait3A_64 : memref<1x8x4096xf32, #tpu.memory_space<vmem>> -> memref<8x4096xf32, #tpu.memory_space<vmem>>
    %dma_wait3A_66 = arith.constant 0 : i32
    %dma_wait3A_67 = tpu.memref_slice %arg2[%add3A_18, %dma_wait3A_66] : memref<8192x4096xf32, #tpu.memory_space<hbm>> -> memref<8x4096xf32, #tpu.memory_space<hbm>>
    %dma_wait3A_68 = arith.constant 0 : i32
    %dma_wait3A_69 = arith.constant 0 : i32
    %dma_wait3A_70 = tpu.memref_slice %arg4[%dma_wait3A_61, %dma_wait3A_68, %dma_wait3A_69] : memref<3x8x4096xf32, #tpu.memory_space<vmem>> -> memref<1x8x4096xf32, #tpu.memory_space<vmem>>
    %dma_wait3A_71 = tpu.memref_squeeze %dma_wait3A_70 : memref<1x8x4096xf32, #tpu.memory_space<vmem>> -> memref<8x4096xf32, #tpu.memory_space<vmem>>
    %dma_wait3A_72 = arith.constant 0 : i32
    %dma_wait3A_73 = tpu.memref_slice %arg2[%add3A_18, %dma_wait3A_72] : memref<8192x4096xf32, #tpu.memory_space<hbm>> -> memref<8x4096xf32, #tpu.memory_space<hbm>>
    tpu.wait_dma2 semaphore(%arg7 : memref<!tpu.dma_semaphore, #tpu.memory_space<semaphore_mem>>) src(%dma_wait3A_73 : memref<8x4096xf32, #tpu.memory_space<hbm>>) dst(%dma_wait3A_71 : memref<8x4096xf32, #tpu.memory_space<vmem>>)
    %add3A_74 = arith.constant 24 : i32
    %add3A_75 = arith.addi %mul3A_2, %add3A_74 : i32
    %dma_start3A_76 = arith.constant 0 : i32
    %dma_start3A_77 = arith.constant 0 : i32
    %dma_start3A_78 = arith.constant 0 : i32
    %dma_start3A_79 = tpu.memref_slice %arg4[%dma_start3A_76, %dma_start3A_77, %dma_start3A_78] : memref<3x8x4096xf32, #tpu.memory_space<vmem>> -> memref<1x8x4096xf32, #tpu.memory_space<vmem>>
    %dma_start3A_80 = tpu.memref_squeeze %dma_start3A_79 : memref<1x8x4096xf32, #tpu.memory_space<vmem>> -> memref<8x4096xf32, #tpu.memory_space<vmem>>
    %dma_start3A_81 = arith.constant 0 : i32
    %dma_start3A_82 = tpu.memref_slice %arg2[%add3A_75, %dma_start3A_81] : memref<8192x4096xf32, #tpu.memory_space<hbm>> -> memref<8x4096xf32, #tpu.memory_space<hbm>>
    %dma_start3A_83 = arith.constant 0 : i32
    %dma_start3A_84 = arith.constant 0 : i32
    %dma_start3A_85 = tpu.memref_slice %arg4[%dma_start3A_76, %dma_start3A_83, %dma_start3A_84] : memref<3x8x4096xf32, #tpu.memory_space<vmem>> -> memref<1x8x4096xf32, #tpu.memory_space<vmem>>
    %dma_start3A_86 = tpu.memref_squeeze %dma_start3A_85 : memref<1x8x4096xf32, #tpu.memory_space<vmem>> -> memref<8x4096xf32, #tpu.memory_space<vmem>>
    %dma_start3A_87 = arith.constant 0 : i32
    %dma_start3A_88 = tpu.memref_slice %arg2[%add3A_75, %dma_start3A_87] : memref<8192x4096xf32, #tpu.memory_space<hbm>> -> memref<8x4096xf32, #tpu.memory_space<hbm>>
    tpu.enqueue_dma source(%dma_start3A_88 : memref<8x4096xf32, #tpu.memory_space<hbm>>) target(%dma_start3A_86 : memref<8x4096xf32, #tpu.memory_space<vmem>>) target_semaphore(%arg6 : memref<!tpu.dma_semaphore, #tpu.memory_space<semaphore_mem>>)
    %parallel_loop3A_89 = arith.constant 0 : i32
    %parallel_loop3A_90 = arith.constant 8 : i32
    %parallel_loop3A_91 = arith.constant 1 : i32
    scf.for %parallel_loop3A_155 = %parallel_loop3A_89 to %parallel_loop3A_90 step %parallel_loop3A_91  : i32 {
      %parallel_loop3A_156 = arith.constant 0.000000e+00 : f32
      %parallel_loop3A_157 = vector.broadcast %parallel_loop3A_156 : f32 to vector<16xf32>
      %parallel_loop3A_158 = arith.constant 1 : i32
      %parallel_loop3A_159 = arith.constant 0 : i32
      %parallel_loop3A_160 = arith.constant 32 : i32
      %parallel_loop3A_161 = arith.addi %parallel_loop3A_159, %parallel_loop3A_160 : i32
      %parallel_loop3A_162 = arith.constant 1 : i32
      %parallel_loop3A_163:8 = scf.for %scan3A = %parallel_loop3A_159 to %parallel_loop3A_161 step %parallel_loop3A_162 iter_args(%scan3A_179 = %parallel_loop3A_157, %scan3A_180 = %parallel_loop3A_157, %scan3A_181 = %parallel_loop3A_157, %scan3A_182 = %parallel_loop3A_157, %scan3A_183 = %parallel_loop3A_157, %scan3A_184 = %parallel_loop3A_157, %scan3A_185 = %parallel_loop3A_157, %scan3A_186 = %parallel_loop3A_157) -> (vector<16xf32>, vector<16xf32>, vector<16xf32>, vector<16xf32>, vector<16xf32>, vector<16xf32>, vector<16xf32>, vector<16xf32>)  : i32 {
        %parallel_loop3A_187 = arith.constant 128 : i32
        %parallel_loop3A_188 = arith.muli %scan3A, %parallel_loop3A_187 : i32
        %parallel_loop3A_189 = arith.constant 0 : i32
        %parallel_loop3A_190 = arith.addi %parallel_loop3A_188, %parallel_loop3A_189 : i32
        %parallel_loop3A_191 = arith.constant 0 : i32
        %parallel_loop3A_192 = arith.constant 0 : i32
        %parallel_loop3A_193 = tpu.memref_slice %arg4[%parallel_loop3A_158, %parallel_loop3A_191, %parallel_loop3A_192] : memref<3x8x4096xf32, #tpu.memory_space<vmem>> -> memref<1x8x4096xf32, #tpu.memory_space<vmem>>
        %parallel_loop3A_194 = tpu.memref_squeeze %parallel_loop3A_193 : memref<1x8x4096xf32, #tpu.memory_space<vmem>> -> memref<8x4096xf32, #tpu.memory_space<vmem>>
        %parallel_loop3A_195 = arith.index_cast %parallel_loop3A_155 : i32 to index
        %parallel_loop3A_196 = arith.index_cast %parallel_loop3A_190 : i32 to index
        %parallel_loop3A_197 = tpu.vector_load %parallel_loop3A_194[%parallel_loop3A_195, %parallel_loop3A_196] {strides = array<i32>} : memref<8x4096xf32, #tpu.memory_space<vmem>>, vector<1x16xf32>,
        %parallel_loop3A_198 = vector.shape_cast %parallel_loop3A_197 : vector<1x16xf32> to vector<16xf32>
        %parallel_loop3A_199 = arith.addf %scan3A_179, %parallel_loop3A_198 : vector<16xf32>
        %parallel_loop3A_200 = arith.constant 16 : i32
        %parallel_loop3A_201 = arith.addi %parallel_loop3A_188, %parallel_loop3A_200 : i32
        %parallel_loop3A_202 = arith.constant 0 : i32
        %parallel_loop3A_203 = arith.constant 0 : i32
        %parallel_loop3A_204 = tpu.memref_slice %arg4[%parallel_loop3A_158, %parallel_loop3A_202, %parallel_loop3A_203] : memref<3x8x4096xf32, #tpu.memory_space<vmem>> -> memref<1x8x4096xf32, #tpu.memory_space<vmem>>
        %parallel_loop3A_205 = tpu.memref_squeeze %parallel_loop3A_204 : memref<1x8x4096xf32, #tpu.memory_space<vmem>> -> memref<8x4096xf32, #tpu.memory_space<vmem>>
        %parallel_loop3A_206 = arith.index_cast %parallel_loop3A_155 : i32 to index
        %parallel_loop3A_207 = arith.index_cast %parallel_loop3A_201 : i32 to index
        %parallel_loop3A_208 = tpu.vector_load %parallel_loop3A_205[%parallel_loop3A_206, %parallel_loop3A_207] {strides = array<i32>} : memref<8x4096xf32, #tpu.memory_space<vmem>>, vector<1x16xf32>,
        %parallel_loop3A_209 = vector.shape_cast %parallel_loop3A_208 : vector<1x16xf32> to vector<16xf32>
        %parallel_loop3A_210 = arith.addf %scan3A_180, %parallel_loop3A_209 : vector<16xf32>
        %parallel_loop3A_211 = arith.constant 32 : i32
        %parallel_loop3A_212 = arith.addi %parallel_loop3A_188, %parallel_loop3A_211 : i32
        %parallel_loop3A_213 = arith.constant 0 : i32
        %parallel_loop3A_214 = arith.constant 0 : i32
        %parallel_loop3A_215 = tpu.memref_slice %arg4[%parallel_loop3A_158, %parallel_loop3A_213, %parallel_loop3A_214] : memref<3x8x4096xf32, #tpu.memory_space<vmem>> -> memref<1x8x4096xf32, #tpu.memory_space<vmem>>
        %parallel_loop3A_216 = tpu.memref_squeeze %parallel_loop3A_215 : memref<1x8x4096xf32, #tpu.memory_space<vmem>> -> memref<8x4096xf32, #tpu.memory_space<vmem>>
        %parallel_loop3A_217 = arith.index_cast %parallel_loop3A_155 : i32 to index
        %parallel_loop3A_218 = arith.index_cast %parallel_loop3A_212 : i32 to index
        %parallel_loop3A_219 = tpu.vector_load %parallel_loop3A_216[%parallel_loop3A_217, %parallel_loop3A_218] {strides = array<i32>} : memref<8x4096xf32, #tpu.memory_space<vmem>>, vector<1x16xf32>,
        %parallel_loop3A_220 = vector.shape_cast %parallel_loop3A_219 : vector<1x16xf32> to vector<16xf32>
        %parallel_loop3A_221 = arith.addf %scan3A_181, %parallel_loop3A_220 : vector<16xf32>
        %parallel_loop3A_222 = arith.constant 48 : i32
        %parallel_loop3A_223 = arith.addi %parallel_loop3A_188, %parallel_loop3A_222 : i32
        %parallel_loop3A_224 = arith.constant 0 : i32
        %parallel_loop3A_225 = arith.constant 0 : i32
        %parallel_loop3A_226 = tpu.memref_slice %arg4[%parallel_loop3A_158, %parallel_loop3A_224, %parallel_loop3A_225] : memref<3x8x4096xf32, #tpu.memory_space<vmem>> -> memref<1x8x4096xf32, #tpu.memory_space<vmem>>
        %parallel_loop3A_227 = tpu.memref_squeeze %parallel_loop3A_226 : memref<1x8x4096xf32, #tpu.memory_space<vmem>> -> memref<8x4096xf32, #tpu.memory_space<vmem>>
        %parallel_loop3A_228 = arith.index_cast %parallel_loop3A_155 : i32 to index
        %parallel_loop3A_229 = arith.index_cast %parallel_loop3A_223 : i32 to index
        %parallel_loop3A_230 = tpu.vector_load %parallel_loop3A_227[%parallel_loop3A_228, %parallel_loop3A_229] {strides = array<i32>} : memref<8x4096xf32, #tpu.memory_space<vmem>>, vector<1x16xf32>,
        %parallel_loop3A_231 = vector.shape_cast %parallel_loop3A_230 : vector<1x16xf32> to vector<16xf32>
        %parallel_loop3A_232 = arith.addf %scan3A_182, %parallel_loop3A_231 : vector<16xf32>
        %parallel_loop3A_233 = arith.constant 64 : i32
        %parallel_loop3A_234 = arith.addi %parallel_loop3A_188, %parallel_loop3A_233 : i32
        %parallel_loop3A_235 = arith.constant 0 : i32
        %parallel_loop3A_236 = arith.constant 0 : i32
        %parallel_loop3A_237 = tpu.memref_slice %arg4[%parallel_loop3A_158, %parallel_loop3A_235, %parallel_loop3A_236] : memref<3x8x4096xf32, #tpu.memory_space<vmem>> -> memref<1x8x4096xf32, #tpu.memory_space<vmem>>
        %parallel_loop3A_238 = tpu.memref_squeeze %parallel_loop3A_237 : memref<1x8x4096xf32, #tpu.memory_space<vmem>> -> memref<8x4096xf32, #tpu.memory_space<vmem>>
        %parallel_loop3A_239 = arith.index_cast %parallel_loop3A_155 : i32 to index
        %parallel_loop3A_240 = arith.index_cast %parallel_loop3A_234 : i32 to index
        %parallel_loop3A_241 = tpu.vector_load %parallel_loop3A_238[%parallel_loop3A_239, %parallel_loop3A_240] {strides = array<i32>} : memref<8x4096xf32, #tpu.memory_space<vmem>>, vector<1x16xf32>,
        %parallel_loop3A_242 = vector.shape_cast %parallel_loop3A_241 : vector<1x16xf32> to vector<16xf32>
        %parallel_loop3A_243 = arith.addf %scan3A_183, %parallel_loop3A_242 : vector<16xf32>
        %parallel_loop3A_244 = arith.constant 80 : i32
        %parallel_loop3A_245 = arith.addi %parallel_loop3A_188, %parallel_loop3A_244 : i32
        %parallel_loop3A_246 = arith.constant 0 : i32
        %parallel_loop3A_247 = arith.constant 0 : i32
        %parallel_loop3A_248 = tpu.memref_slice %arg4[%parallel_loop3A_158, %parallel_loop3A_246, %parallel_loop3A_247] : memref<3x8x4096xf32, #tpu.memory_space<vmem>> -> memref<1x8x4096xf32, #tpu.memory_space<vmem>>
        %parallel_loop3A_249 = tpu.memref_squeeze %parallel_loop3A_248 : memref<1x8x4096xf32, #tpu.memory_space<vmem>> -> memref<8x4096xf32, #tpu.memory_space<vmem>>
        %parallel_loop3A_250 = arith.index_cast %parallel_loop3A_155 : i32 to index
        %parallel_loop3A_251 = arith.index_cast %parallel_loop3A_245 : i32 to index
        %parallel_loop3A_252 = tpu.vector_load %parallel_loop3A_249[%parallel_loop3A_250, %parallel_loop3A_251] {strides = array<i32>} : memref<8x4096xf32, #tpu.memory_space<vmem>>, vector<1x16xf32>,
        %parallel_loop3A_253 = vector.shape_cast %parallel_loop3A_252 : vector<1x16xf32> to vector<16xf32>
        %parallel_loop3A_254 = arith.addf %scan3A_184, %parallel_loop3A_253 : vector<16xf32>
        %parallel_loop3A_255 = arith.constant 96 : i32
        %parallel_loop3A_256 = arith.addi %parallel_loop3A_188, %parallel_loop3A_255 : i32
        %parallel_loop3A_257 = arith.constant 0 : i32
        %parallel_loop3A_258 = arith.constant 0 : i32
        %parallel_loop3A_259 = tpu.memref_slice %arg4[%parallel_loop3A_158, %parallel_loop3A_257, %parallel_loop3A_258] : memref<3x8x4096xf32, #tpu.memory_space<vmem>> -> memref<1x8x4096xf32, #tpu.memory_space<vmem>>
        %parallel_loop3A_260 = tpu.memref_squeeze %parallel_loop3A_259 : memref<1x8x4096xf32, #tpu.memory_space<vmem>> -> memref<8x4096xf32, #tpu.memory_space<vmem>>
        %parallel_loop3A_261 = arith.index_cast %parallel_loop3A_155 : i32 to index
        %parallel_loop3A_262 = arith.index_cast %parallel_loop3A_256 : i32 to index
        %parallel_loop3A_263 = tpu.vector_load %parallel_loop3A_260[%parallel_loop3A_261, %parallel_loop3A_262] {strides = array<i32>} : memref<8x4096xf32, #tpu.memory_space<vmem>>, vector<1x16xf32>,
        %parallel_loop3A_264 = vector.shape_cast %parallel_loop3A_263 : vector<1x16xf32> to vector<16xf32>
        %parallel_loop3A_265 = arith.addf %scan3A_185, %parallel_loop3A_264 : vector<16xf32>
        %parallel_loop3A_266 = arith.constant 112 : i32
        %parallel_loop3A_267 = arith.addi %parallel_loop3A_188, %parallel_loop3A_266 : i32
        %parallel_loop3A_268 = arith.constant 0 : i32
        %parallel_loop3A_269 = arith.constant 0 : i32
        %parallel_loop3A_270 = tpu.memref_slice %arg4[%parallel_loop3A_158, %parallel_loop3A_268, %parallel_loop3A_269] : memref<3x8x4096xf32, #tpu.memory_space<vmem>> -> memref<1x8x4096xf32, #tpu.memory_space<vmem>>
        %parallel_loop3A_271 = tpu.memref_squeeze %parallel_loop3A_270 : memref<1x8x4096xf32, #tpu.memory_space<vmem>> -> memref<8x4096xf32, #tpu.memory_space<vmem>>
        %parallel_loop3A_272 = arith.index_cast %parallel_loop3A_155 : i32 to index
        %parallel_loop3A_273 = arith.index_cast %parallel_loop3A_267 : i32 to index
        %parallel_loop3A_274 = tpu.vector_load %parallel_loop3A_271[%parallel_loop3A_272, %parallel_loop3A_273] {strides = array<i32>} : memref<8x4096xf32, #tpu.memory_space<vmem>>, vector<1x16xf32>,
        %parallel_loop3A_275 = vector.shape_cast %parallel_loop3A_274 : vector<1x16xf32> to vector<16xf32>
        %parallel_loop3A_276 = arith.addf %scan3A_186, %parallel_loop3A_275 : vector<16xf32>
        scf.yield %parallel_loop3A_199, %parallel_loop3A_210, %parallel_loop3A_221, %parallel_loop3A_232, %parallel_loop3A_243, %parallel_loop3A_254, %parallel_loop3A_265, %parallel_loop3A_276 : vector<16xf32>, vector<16xf32>, vector<16xf32>, vector<16xf32>, vector<16xf32>, vector<16xf32>, vector<16xf32>, vector<16xf32>
      }
      %parallel_loop3A_164 = arith.constant 32 : i32
      %parallel_loop3A_165 = arith.addf %parallel_loop3A_163#0, %parallel_loop3A_163#1 : vector<16xf32>
      %parallel_loop3A_166 = arith.addf %parallel_loop3A_163#2, %parallel_loop3A_163#3 : vector<16xf32>
      %parallel_loop3A_167 = arith.addf %parallel_loop3A_165, %parallel_loop3A_166 : vector<16xf32>
      %parallel_loop3A_168 = arith.addf %parallel_loop3A_163#4, %parallel_loop3A_163#5 : vector<16xf32>
      %parallel_loop3A_169 = arith.addf %parallel_loop3A_163#6, %parallel_loop3A_163#7 : vector<16xf32>
      %parallel_loop3A_170 = arith.addf %parallel_loop3A_168, %parallel_loop3A_169 : vector<16xf32>
      %parallel_loop3A_171 = arith.addf %parallel_loop3A_167, %parallel_loop3A_170 : vector<16xf32>
      %parallel_loop3A_172 = arith.constant 8 : i32
      %parallel_loop3A_173 = arith.addi %parallel_loop3A_172, %parallel_loop3A_155 : i32
      %parallel_loop3A_174 = arith.index_cast %parallel_loop3A_173 : i32 to index
      %parallel_loop3A_175 = arith.constant 0 : index
      %parallel_loop3A_176 = tpu.vector_load %arg5[%parallel_loop3A_174, %parallel_loop3A_175] {strides = array<i32>} : memref<40x16xf32, #tpu.memory_space<vmem>>, vector<1x16xf32>,
      %parallel_loop3A_177 = vector.shape_cast %parallel_loop3A_176 : vector<1x16xf32> to vector<16xf32>
      %parallel_loop3A_178 = vector.shape_cast %parallel_loop3A_171 : vector<16xf32> to vector<1x16xf32>
      tpu.vector_store %arg5[%parallel_loop3A_174, %parallel_loop3A_175], %parallel_loop3A_178 {strides = array<i32>} : memref<40x16xf32, #tpu.memory_space<vmem>>, vector<1x16xf32>,
    } {sc.loop_unroll_factor = 1 : i64, sc.parallel_access}
    %dma_wait3A_92 = arith.constant 2 : i32
    %dma_wait3A_93 = arith.constant 0 : i32
    %dma_wait3A_94 = arith.constant 0 : i32
    %dma_wait3A_95 = tpu.memref_slice %arg4[%dma_wait3A_92, %dma_wait3A_93, %dma_wait3A_94] : memref<3x8x4096xf32, #tpu.memory_space<vmem>> -> memref<1x8x4096xf32, #tpu.memory_space<vmem>>
    %dma_wait3A_96 = tpu.memref_squeeze %dma_wait3A_95 : memref<1x8x4096xf32, #tpu.memory_space<vmem>> -> memref<8x4096xf32, #tpu.memory_space<vmem>>
    %dma_wait3A_97 = arith.constant 0 : i32
    %dma_wait3A_98 = tpu.memref_slice %arg2[%add3A_45, %dma_wait3A_97] : memref<8192x4096xf32, #tpu.memory_space<hbm>> -> memref<8x4096xf32, #tpu.memory_space<hbm>>
    %dma_wait3A_99 = arith.constant 0 : i32
    %dma_wait3A_100 = arith.constant 0 : i32
    %dma_wait3A_101 = tpu.memref_slice %arg4[%dma_wait3A_92, %dma_wait3A_99, %dma_wait3A_100] : memref<3x8x4096xf32, #tpu.memory_space<vmem>> -> memref<1x8x4096xf32, #tpu.memory_space<vmem>>
    %dma_wait3A_102 = tpu.memref_squeeze %dma_wait3A_101 : memref<1x8x4096xf32, #tpu.memory_space<vmem>> -> memref<8x4096xf32, #tpu.memory_space<vmem>>
    %dma_wait3A_103 = arith.constant 0 : i32
    %dma_wait3A_104 = tpu.memref_slice %arg2[%add3A_45, %dma_wait3A_103] : memref<8192x4096xf32, #tpu.memory_space<hbm>> -> memref<8x4096xf32, #tpu.memory_space<hbm>>
    tpu.wait_dma2 semaphore(%arg8 : memref<!tpu.dma_semaphore, #tpu.memory_space<semaphore_mem>>) src(%dma_wait3A_104 : memref<8x4096xf32, #tpu.memory_space<hbm>>) dst(%dma_wait3A_102 : memref<8x4096xf32, #tpu.memory_space<vmem>>)
    %add3A_105 = arith.constant 32 : i32
    %add3A_106 = arith.addi %mul3A_2, %add3A_105 : i32
    %dma_start3A_107 = arith.constant 1 : i32
    %dma_start3A_108 = arith.constant 0 : i32
    %dma_start3A_109 = arith.constant 0 : i32
    %dma_start3A_110 = tpu.memref_slice %arg4[%dma_start3A_107, %dma_start3A_108, %dma_start3A_109] : memref<3x8x4096xf32, #tpu.memory_space<vmem>> -> memref<1x8x4096xf32, #tpu.memory_space<vmem>>
    %dma_start3A_111 = tpu.memref_squeeze %dma_start3A_110 : memref<1x8x4096xf32, #tpu.memory_space<vmem>> -> memref<8x4096xf32, #tpu.memory_space<vmem>>
    %dma_start3A_112 = arith.constant 0 : i32
    %dma_start3A_113 = tpu.memref_slice %arg2[%add3A_106, %dma_start3A_112] : memref<8192x4096xf32, #tpu.memory_space<hbm>> -> memref<8x4096xf32, #tpu.memory_space<hbm>>
    %dma_start3A_114 = arith.constant 0 : i32
    %dma_start3A_115 = arith.constant 0 : i32
    %dma_start3A_116 = tpu.memref_slice %arg4[%dma_start3A_107, %dma_start3A_114, %dma_start3A_115] : memref<3x8x4096xf32, #tpu.memory_space<vmem>> -> memref<1x8x4096xf32, #tpu.memory_space<vmem>>
    %dma_start3A_117 = tpu.memref_squeeze %dma_start3A_116 : memref<1x8x4096xf32, #tpu.memory_space<vmem>> -> memref<8x4096xf32, #tpu.memory_space<vmem>>
    %dma_start3A_118 = arith.constant 0 : i32
    %dma_start3A_119 = tpu.memref_slice %arg2[%add3A_106, %dma_start3A_118] : memref<8192x4096xf32, #tpu.memory_space<hbm>> -> memref<8x4096xf32, #tpu.memory_space<hbm>>
    tpu.enqueue_dma source(%dma_start3A_119 : memref<8x4096xf32, #tpu.memory_space<hbm>>) target(%dma_start3A_117 : memref<8x4096xf32, #tpu.memory_space<vmem>>) target_semaphore(%arg7 : memref<!tpu.dma_semaphore, #tpu.memory_space<semaphore_mem>>)
    %parallel_loop3A_120 = arith.constant 0 : i32
    %parallel_loop3A_121 = arith.constant 8 : i32
    %parallel_loop3A_122 = arith.constant 1 : i32
    scf.for %parallel_loop3A_155 = %parallel_loop3A_120 to %parallel_loop3A_121 step %parallel_loop3A_122  : i32 {
      %parallel_loop3A_156 = arith.constant 0.000000e+00 : f32
      %parallel_loop3A_157 = vector.broadcast %parallel_loop3A_156 : f32 to vector<16xf32>
      %parallel_loop3A_158 = arith.constant 2 : i32
      %parallel_loop3A_159 = arith.constant 0 : i32
      %parallel_loop3A_160 = arith.constant 32 : i32
      %parallel_loop3A_161 = arith.addi %parallel_loop3A_159, %parallel_loop3A_160 : i32
      %parallel_loop3A_162 = arith.constant 1 : i32
      %parallel_loop3A_163:8 = scf.for %scan3A = %parallel_loop3A_159 to %parallel_loop3A_161 step %parallel_loop3A_162 iter_args(%scan3A_179 = %parallel_loop3A_157, %scan3A_180 = %parallel_loop3A_157, %scan3A_181 = %parallel_loop3A_157, %scan3A_182 = %parallel_loop3A_157, %scan3A_183 = %parallel_loop3A_157, %scan3A_184 = %parallel_loop3A_157, %scan3A_185 = %parallel_loop3A_157, %scan3A_186 = %parallel_loop3A_157) -> (vector<16xf32>, vector<16xf32>, vector<16xf32>, vector<16xf32>, vector<16xf32>, vector<16xf32>, vector<16xf32>, vector<16xf32>)  : i32 {
        %parallel_loop3A_187 = arith.constant 128 : i32
        %parallel_loop3A_188 = arith.muli %scan3A, %parallel_loop3A_187 : i32
        %parallel_loop3A_189 = arith.constant 0 : i32
        %parallel_loop3A_190 = arith.addi %parallel_loop3A_188, %parallel_loop3A_189 : i32
        %parallel_loop3A_191 = arith.constant 0 : i32
        %parallel_loop3A_192 = arith.constant 0 : i32
        %parallel_loop3A_193 = tpu.memref_slice %arg4[%parallel_loop3A_158, %parallel_loop3A_191, %parallel_loop3A_192] : memref<3x8x4096xf32, #tpu.memory_space<vmem>> -> memref<1x8x4096xf32, #tpu.memory_space<vmem>>
        %parallel_loop3A_194 = tpu.memref_squeeze %parallel_loop3A_193 : memref<1x8x4096xf32, #tpu.memory_space<vmem>> -> memref<8x4096xf32, #tpu.memory_space<vmem>>
        %parallel_loop3A_195 = arith.index_cast %parallel_loop3A_155 : i32 to index
        %parallel_loop3A_196 = arith.index_cast %parallel_loop3A_190 : i32 to index
        %parallel_loop3A_197 = tpu.vector_load %parallel_loop3A_194[%parallel_loop3A_195, %parallel_loop3A_196] {strides = array<i32>} : memref<8x4096xf32, #tpu.memory_space<vmem>>, vector<1x16xf32>,
        %parallel_loop3A_198 = vector.shape_cast %parallel_loop3A_197 : vector<1x16xf32> to vector<16xf32>
        %parallel_loop3A_199 = arith.addf %scan3A_179, %parallel_loop3A_198 : vector<16xf32>
        %parallel_loop3A_200 = arith.constant 16 : i32
        %parallel_loop3A_201 = arith.addi %parallel_loop3A_188, %parallel_loop3A_200 : i32
        %parallel_loop3A_202 = arith.constant 0 : i32
        %parallel_loop3A_203 = arith.constant 0 : i32
        %parallel_loop3A_204 = tpu.memref_slice %arg4[%parallel_loop3A_158, %parallel_loop3A_202, %parallel_loop3A_203] : memref<3x8x4096xf32, #tpu.memory_space<vmem>> -> memref<1x8x4096xf32, #tpu.memory_space<vmem>>
        %parallel_loop3A_205 = tpu.memref_squeeze %parallel_loop3A_204 : memref<1x8x4096xf32, #tpu.memory_space<vmem>> -> memref<8x4096xf32, #tpu.memory_space<vmem>>
        %parallel_loop3A_206 = arith.index_cast %parallel_loop3A_155 : i32 to index
        %parallel_loop3A_207 = arith.index_cast %parallel_loop3A_201 : i32 to index
        %parallel_loop3A_208 = tpu.vector_load %parallel_loop3A_205[%parallel_loop3A_206, %parallel_loop3A_207] {strides = array<i32>} : memref<8x4096xf32, #tpu.memory_space<vmem>>, vector<1x16xf32>,
        %parallel_loop3A_209 = vector.shape_cast %parallel_loop3A_208 : vector<1x16xf32> to vector<16xf32>
        %parallel_loop3A_210 = arith.addf %scan3A_180, %parallel_loop3A_209 : vector<16xf32>
        %parallel_loop3A_211 = arith.constant 32 : i32
        %parallel_loop3A_212 = arith.addi %parallel_loop3A_188, %parallel_loop3A_211 : i32
        %parallel_loop3A_213 = arith.constant 0 : i32
        %parallel_loop3A_214 = arith.constant 0 : i32
        %parallel_loop3A_215 = tpu.memref_slice %arg4[%parallel_loop3A_158, %parallel_loop3A_213, %parallel_loop3A_214] : memref<3x8x4096xf32, #tpu.memory_space<vmem>> -> memref<1x8x4096xf32, #tpu.memory_space<vmem>>
        %parallel_loop3A_216 = tpu.memref_squeeze %parallel_loop3A_215 : memref<1x8x4096xf32, #tpu.memory_space<vmem>> -> memref<8x4096xf32, #tpu.memory_space<vmem>>
        %parallel_loop3A_217 = arith.index_cast %parallel_loop3A_155 : i32 to index
        %parallel_loop3A_218 = arith.index_cast %parallel_loop3A_212 : i32 to index
        %parallel_loop3A_219 = tpu.vector_load %parallel_loop3A_216[%parallel_loop3A_217, %parallel_loop3A_218] {strides = array<i32>} : memref<8x4096xf32, #tpu.memory_space<vmem>>, vector<1x16xf32>,
        %parallel_loop3A_220 = vector.shape_cast %parallel_loop3A_219 : vector<1x16xf32> to vector<16xf32>
        %parallel_loop3A_221 = arith.addf %scan3A_181, %parallel_loop3A_220 : vector<16xf32>
        %parallel_loop3A_222 = arith.constant 48 : i32
        %parallel_loop3A_223 = arith.addi %parallel_loop3A_188, %parallel_loop3A_222 : i32
        %parallel_loop3A_224 = arith.constant 0 : i32
        %parallel_loop3A_225 = arith.constant 0 : i32
        %parallel_loop3A_226 = tpu.memref_slice %arg4[%parallel_loop3A_158, %parallel_loop3A_224, %parallel_loop3A_225] : memref<3x8x4096xf32, #tpu.memory_space<vmem>> -> memref<1x8x4096xf32, #tpu.memory_space<vmem>>
        %parallel_loop3A_227 = tpu.memref_squeeze %parallel_loop3A_226 : memref<1x8x4096xf32, #tpu.memory_space<vmem>> -> memref<8x4096xf32, #tpu.memory_space<vmem>>
        %parallel_loop3A_228 = arith.index_cast %parallel_loop3A_155 : i32 to index
        %parallel_loop3A_229 = arith.index_cast %parallel_loop3A_223 : i32 to index
        %parallel_loop3A_230 = tpu.vector_load %parallel_loop3A_227[%parallel_loop3A_228, %parallel_loop3A_229] {strides = array<i32>} : memref<8x4096xf32, #tpu.memory_space<vmem>>, vector<1x16xf32>,
        %parallel_loop3A_231 = vector.shape_cast %parallel_loop3A_230 : vector<1x16xf32> to vector<16xf32>
        %parallel_loop3A_232 = arith.addf %scan3A_182, %parallel_loop3A_231 : vector<16xf32>
        %parallel_loop3A_233 = arith.constant 64 : i32
        %parallel_loop3A_234 = arith.addi %parallel_loop3A_188, %parallel_loop3A_233 : i32
        %parallel_loop3A_235 = arith.constant 0 : i32
        %parallel_loop3A_236 = arith.constant 0 : i32
        %parallel_loop3A_237 = tpu.memref_slice %arg4[%parallel_loop3A_158, %parallel_loop3A_235, %parallel_loop3A_236] : memref<3x8x4096xf32, #tpu.memory_space<vmem>> -> memref<1x8x4096xf32, #tpu.memory_space<vmem>>
        %parallel_loop3A_238 = tpu.memref_squeeze %parallel_loop3A_237 : memref<1x8x4096xf32, #tpu.memory_space<vmem>> -> memref<8x4096xf32, #tpu.memory_space<vmem>>
        %parallel_loop3A_239 = arith.index_cast %parallel_loop3A_155 : i32 to index
        %parallel_loop3A_240 = arith.index_cast %parallel_loop3A_234 : i32 to index
        %parallel_loop3A_241 = tpu.vector_load %parallel_loop3A_238[%parallel_loop3A_239, %parallel_loop3A_240] {strides = array<i32>} : memref<8x4096xf32, #tpu.memory_space<vmem>>, vector<1x16xf32>,
        %parallel_loop3A_242 = vector.shape_cast %parallel_loop3A_241 : vector<1x16xf32> to vector<16xf32>
        %parallel_loop3A_243 = arith.addf %scan3A_183, %parallel_loop3A_242 : vector<16xf32>
        %parallel_loop3A_244 = arith.constant 80 : i32
        %parallel_loop3A_245 = arith.addi %parallel_loop3A_188, %parallel_loop3A_244 : i32
        %parallel_loop3A_246 = arith.constant 0 : i32
        %parallel_loop3A_247 = arith.constant 0 : i32
        %parallel_loop3A_248 = tpu.memref_slice %arg4[%parallel_loop3A_158, %parallel_loop3A_246, %parallel_loop3A_247] : memref<3x8x4096xf32, #tpu.memory_space<vmem>> -> memref<1x8x4096xf32, #tpu.memory_space<vmem>>
        %parallel_loop3A_249 = tpu.memref_squeeze %parallel_loop3A_248 : memref<1x8x4096xf32, #tpu.memory_space<vmem>> -> memref<8x4096xf32, #tpu.memory_space<vmem>>
        %parallel_loop3A_250 = arith.index_cast %parallel_loop3A_155 : i32 to index
        %parallel_loop3A_251 = arith.index_cast %parallel_loop3A_245 : i32 to index
        %parallel_loop3A_252 = tpu.vector_load %parallel_loop3A_249[%parallel_loop3A_250, %parallel_loop3A_251] {strides = array<i32>} : memref<8x4096xf32, #tpu.memory_space<vmem>>, vector<1x16xf32>,
        %parallel_loop3A_253 = vector.shape_cast %parallel_loop3A_252 : vector<1x16xf32> to vector<16xf32>
        %parallel_loop3A_254 = arith.addf %scan3A_184, %parallel_loop3A_253 : vector<16xf32>
        %parallel_loop3A_255 = arith.constant 96 : i32
        %parallel_loop3A_256 = arith.addi %parallel_loop3A_188, %parallel_loop3A_255 : i32
        %parallel_loop3A_257 = arith.constant 0 : i32
        %parallel_loop3A_258 = arith.constant 0 : i32
        %parallel_loop3A_259 = tpu.memref_slice %arg4[%parallel_loop3A_158, %parallel_loop3A_257, %parallel_loop3A_258] : memref<3x8x4096xf32, #tpu.memory_space<vmem>> -> memref<1x8x4096xf32, #tpu.memory_space<vmem>>
        %parallel_loop3A_260 = tpu.memref_squeeze %parallel_loop3A_259 : memref<1x8x4096xf32, #tpu.memory_space<vmem>> -> memref<8x4096xf32, #tpu.memory_space<vmem>>
        %parallel_loop3A_261 = arith.index_cast %parallel_loop3A_155 : i32 to index
        %parallel_loop3A_262 = arith.index_cast %parallel_loop3A_256 : i32 to index
        %parallel_loop3A_263 = tpu.vector_load %parallel_loop3A_260[%parallel_loop3A_261, %parallel_loop3A_262] {strides = array<i32>} : memref<8x4096xf32, #tpu.memory_space<vmem>>, vector<1x16xf32>,
        %parallel_loop3A_264 = vector.shape_cast %parallel_loop3A_263 : vector<1x16xf32> to vector<16xf32>
        %parallel_loop3A_265 = arith.addf %scan3A_185, %parallel_loop3A_264 : vector<16xf32>
        %parallel_loop3A_266 = arith.constant 112 : i32
        %parallel_loop3A_267 = arith.addi %parallel_loop3A_188, %parallel_loop3A_266 : i32
        %parallel_loop3A_268 = arith.constant 0 : i32
        %parallel_loop3A_269 = arith.constant 0 : i32
        %parallel_loop3A_270 = tpu.memref_slice %arg4[%parallel_loop3A_158, %parallel_loop3A_268, %parallel_loop3A_269] : memref<3x8x4096xf32, #tpu.memory_space<vmem>> -> memref<1x8x4096xf32, #tpu.memory_space<vmem>>
        %parallel_loop3A_271 = tpu.memref_squeeze %parallel_loop3A_270 : memref<1x8x4096xf32, #tpu.memory_space<vmem>> -> memref<8x4096xf32, #tpu.memory_space<vmem>>
        %parallel_loop3A_272 = arith.index_cast %parallel_loop3A_155 : i32 to index
        %parallel_loop3A_273 = arith.index_cast %parallel_loop3A_267 : i32 to index
        %parallel_loop3A_274 = tpu.vector_load %parallel_loop3A_271[%parallel_loop3A_272, %parallel_loop3A_273] {strides = array<i32>} : memref<8x4096xf32, #tpu.memory_space<vmem>>, vector<1x16xf32>,
        %parallel_loop3A_275 = vector.shape_cast %parallel_loop3A_274 : vector<1x16xf32> to vector<16xf32>
        %parallel_loop3A_276 = arith.addf %scan3A_186, %parallel_loop3A_275 : vector<16xf32>
        scf.yield %parallel_loop3A_199, %parallel_loop3A_210, %parallel_loop3A_221, %parallel_loop3A_232, %parallel_loop3A_243, %parallel_loop3A_254, %parallel_loop3A_265, %parallel_loop3A_276 : vector<16xf32>, vector<16xf32>, vector<16xf32>, vector<16xf32>, vector<16xf32>, vector<16xf32>, vector<16xf32>, vector<16xf32>
      }
      %parallel_loop3A_164 = arith.constant 32 : i32
      %parallel_loop3A_165 = arith.addf %parallel_loop3A_163#0, %parallel_loop3A_163#1 : vector<16xf32>
      %parallel_loop3A_166 = arith.addf %parallel_loop3A_163#2, %parallel_loop3A_163#3 : vector<16xf32>
      %parallel_loop3A_167 = arith.addf %parallel_loop3A_165, %parallel_loop3A_166 : vector<16xf32>
      %parallel_loop3A_168 = arith.addf %parallel_loop3A_163#4, %parallel_loop3A_163#5 : vector<16xf32>
      %parallel_loop3A_169 = arith.addf %parallel_loop3A_163#6, %parallel_loop3A_163#7 : vector<16xf32>
      %parallel_loop3A_170 = arith.addf %parallel_loop3A_168, %parallel_loop3A_169 : vector<16xf32>
      %parallel_loop3A_171 = arith.addf %parallel_loop3A_167, %parallel_loop3A_170 : vector<16xf32>
      %parallel_loop3A_172 = arith.constant 16 : i32
      %parallel_loop3A_173 = arith.addi %parallel_loop3A_172, %parallel_loop3A_155 : i32
      %parallel_loop3A_174 = arith.index_cast %parallel_loop3A_173 : i32 to index
      %parallel_loop3A_175 = arith.constant 0 : index
      %parallel_loop3A_176 = tpu.vector_load %arg5[%parallel_loop3A_174, %parallel_loop3A_175] {strides = array<i32>} : memref<40x16xf32, #tpu.memory_space<vmem>>, vector<1x16xf32>,
      %parallel_loop3A_177 = vector.shape_cast %parallel_loop3A_176 : vector<1x16xf32> to vector<16xf32>
      %parallel_loop3A_178 = vector.shape_cast %parallel_loop3A_171 : vector<16xf32> to vector<1x16xf32>
      tpu.vector_store %arg5[%parallel_loop3A_174, %parallel_loop3A_175], %parallel_loop3A_178 {strides = array<i32>} : memref<40x16xf32, #tpu.memory_space<vmem>>, vector<1x16xf32>,
    } {sc.loop_unroll_factor = 1 : i64, sc.parallel_access}
    %dma_wait3A_123 = arith.constant 0 : i32
    %dma_wait3A_124 = arith.constant 0 : i32
    %dma_wait3A_125 = arith.constant 0 : i32
    %dma_wait3A_126 = tpu.memref_slice %arg4[%dma_wait3A_123, %dma_wait3A_124, %dma_wait3A_125] : memref<3x8x4096xf32, #tpu.memory_space<vmem>> -> memref<1x8x4096xf32, #tpu.memory_space<vmem>>
    %dma_wait3A_127 = tpu.memref_squeeze %dma_wait3A_126 : memref<1x8x4096xf32, #tpu.memory_space<vmem>> -> memref<8x4096xf32, #tpu.memory_space<vmem>>
    %dma_wait3A_128 = arith.constant 0 : i32
    %dma_wait3A_129 = tpu.memref_slice %arg2[%add3A_75, %dma_wait3A_128] : memref<8192x4096xf32, #tpu.memory_space<hbm>> -> memref<8x4096xf32, #tpu.memory_space<hbm>>
    %dma_wait3A_130 = arith.constant 0 : i32
    %dma_wait3A_131 = arith.constant 0 : i32
    %dma_wait3A_132 = tpu.memref_slice %arg4[%dma_wait3A_123, %dma_wait3A_130, %dma_wait3A_131] : memref<3x8x4096xf32, #tpu.memory_space<vmem>> -> memref<1x8x4096xf32, #tpu.memory_space<vmem>>
    %dma_wait3A_133 = tpu.memref_squeeze %dma_wait3A_132 : memref<1x8x4096xf32, #tpu.memory_space<vmem>> -> memref<8x4096xf32, #tpu.memory_space<vmem>>
    %dma_wait3A_134 = arith.constant 0 : i32
    %dma_wait3A_135 = tpu.memref_slice %arg2[%add3A_75, %dma_wait3A_134] : memref<8192x4096xf32, #tpu.memory_space<hbm>> -> memref<8x4096xf32, #tpu.memory_space<hbm>>
    tpu.wait_dma2 semaphore(%arg6 : memref<!tpu.dma_semaphore, #tpu.memory_space<semaphore_mem>>) src(%dma_wait3A_135 : memref<8x4096xf32, #tpu.memory_space<hbm>>) dst(%dma_wait3A_133 : memref<8x4096xf32, #tpu.memory_space<vmem>>)
    %parallel_loop3A_136 = arith.constant 0 : i32
    %parallel_loop3A_137 = arith.constant 8 : i32
    %parallel_loop3A_138 = arith.constant 1 : i32
    scf.for %parallel_loop3A_155 = %parallel_loop3A_136 to %parallel_loop3A_137 step %parallel_loop3A_138  : i32 {
      %parallel_loop3A_156 = arith.constant 0.000000e+00 : f32
      %parallel_loop3A_157 = vector.broadcast %parallel_loop3A_156 : f32 to vector<16xf32>
      %parallel_loop3A_158 = arith.constant 0 : i32
      %parallel_loop3A_159 = arith.constant 0 : i32
      %parallel_loop3A_160 = arith.constant 32 : i32
      %parallel_loop3A_161 = arith.addi %parallel_loop3A_159, %parallel_loop3A_160 : i32
      %parallel_loop3A_162 = arith.constant 1 : i32
      %parallel_loop3A_163:8 = scf.for %scan3A = %parallel_loop3A_159 to %parallel_loop3A_161 step %parallel_loop3A_162 iter_args(%scan3A_179 = %parallel_loop3A_157, %scan3A_180 = %parallel_loop3A_157, %scan3A_181 = %parallel_loop3A_157, %scan3A_182 = %parallel_loop3A_157, %scan3A_183 = %parallel_loop3A_157, %scan3A_184 = %parallel_loop3A_157, %scan3A_185 = %parallel_loop3A_157, %scan3A_186 = %parallel_loop3A_157) -> (vector<16xf32>, vector<16xf32>, vector<16xf32>, vector<16xf32>, vector<16xf32>, vector<16xf32>, vector<16xf32>, vector<16xf32>)  : i32 {
        %parallel_loop3A_187 = arith.constant 128 : i32
        %parallel_loop3A_188 = arith.muli %scan3A, %parallel_loop3A_187 : i32
        %parallel_loop3A_189 = arith.constant 0 : i32
        %parallel_loop3A_190 = arith.addi %parallel_loop3A_188, %parallel_loop3A_189 : i32
        %parallel_loop3A_191 = arith.constant 0 : i32
        %parallel_loop3A_192 = arith.constant 0 : i32
        %parallel_loop3A_193 = tpu.memref_slice %arg4[%parallel_loop3A_158, %parallel_loop3A_191, %parallel_loop3A_192] : memref<3x8x4096xf32, #tpu.memory_space<vmem>> -> memref<1x8x4096xf32, #tpu.memory_space<vmem>>
        %parallel_loop3A_194 = tpu.memref_squeeze %parallel_loop3A_193 : memref<1x8x4096xf32, #tpu.memory_space<vmem>> -> memref<8x4096xf32, #tpu.memory_space<vmem>>
        %parallel_loop3A_195 = arith.index_cast %parallel_loop3A_155 : i32 to index
        %parallel_loop3A_196 = arith.index_cast %parallel_loop3A_190 : i32 to index
        %parallel_loop3A_197 = tpu.vector_load %parallel_loop3A_194[%parallel_loop3A_195, %parallel_loop3A_196] {strides = array<i32>} : memref<8x4096xf32, #tpu.memory_space<vmem>>, vector<1x16xf32>,
        %parallel_loop3A_198 = vector.shape_cast %parallel_loop3A_197 : vector<1x16xf32> to vector<16xf32>
        %parallel_loop3A_199 = arith.addf %scan3A_179, %parallel_loop3A_198 : vector<16xf32>
        %parallel_loop3A_200 = arith.constant 16 : i32
        %parallel_loop3A_201 = arith.addi %parallel_loop3A_188, %parallel_loop3A_200 : i32
        %parallel_loop3A_202 = arith.constant 0 : i32
        %parallel_loop3A_203 = arith.constant 0 : i32
        %parallel_loop3A_204 = tpu.memref_slice %arg4[%parallel_loop3A_158, %parallel_loop3A_202, %parallel_loop3A_203] : memref<3x8x4096xf32, #tpu.memory_space<vmem>> -> memref<1x8x4096xf32, #tpu.memory_space<vmem>>
        %parallel_loop3A_205 = tpu.memref_squeeze %parallel_loop3A_204 : memref<1x8x4096xf32, #tpu.memory_space<vmem>> -> memref<8x4096xf32, #tpu.memory_space<vmem>>
        %parallel_loop3A_206 = arith.index_cast %parallel_loop3A_155 : i32 to index
        %parallel_loop3A_207 = arith.index_cast %parallel_loop3A_201 : i32 to index
        %parallel_loop3A_208 = tpu.vector_load %parallel_loop3A_205[%parallel_loop3A_206, %parallel_loop3A_207] {strides = array<i32>} : memref<8x4096xf32, #tpu.memory_space<vmem>>, vector<1x16xf32>,
        %parallel_loop3A_209 = vector.shape_cast %parallel_loop3A_208 : vector<1x16xf32> to vector<16xf32>
        %parallel_loop3A_210 = arith.addf %scan3A_180, %parallel_loop3A_209 : vector<16xf32>
        %parallel_loop3A_211 = arith.constant 32 : i32
        %parallel_loop3A_212 = arith.addi %parallel_loop3A_188, %parallel_loop3A_211 : i32
        %parallel_loop3A_213 = arith.constant 0 : i32
        %parallel_loop3A_214 = arith.constant 0 : i32
        %parallel_loop3A_215 = tpu.memref_slice %arg4[%parallel_loop3A_158, %parallel_loop3A_213, %parallel_loop3A_214] : memref<3x8x4096xf32, #tpu.memory_space<vmem>> -> memref<1x8x4096xf32, #tpu.memory_space<vmem>>
        %parallel_loop3A_216 = tpu.memref_squeeze %parallel_loop3A_215 : memref<1x8x4096xf32, #tpu.memory_space<vmem>> -> memref<8x4096xf32, #tpu.memory_space<vmem>>
        %parallel_loop3A_217 = arith.index_cast %parallel_loop3A_155 : i32 to index
        %parallel_loop3A_218 = arith.index_cast %parallel_loop3A_212 : i32 to index
        %parallel_loop3A_219 = tpu.vector_load %parallel_loop3A_216[%parallel_loop3A_217, %parallel_loop3A_218] {strides = array<i32>} : memref<8x4096xf32, #tpu.memory_space<vmem>>, vector<1x16xf32>,
        %parallel_loop3A_220 = vector.shape_cast %parallel_loop3A_219 : vector<1x16xf32> to vector<16xf32>
        %parallel_loop3A_221 = arith.addf %scan3A_181, %parallel_loop3A_220 : vector<16xf32>
        %parallel_loop3A_222 = arith.constant 48 : i32
        %parallel_loop3A_223 = arith.addi %parallel_loop3A_188, %parallel_loop3A_222 : i32
        %parallel_loop3A_224 = arith.constant 0 : i32
        %parallel_loop3A_225 = arith.constant 0 : i32
        %parallel_loop3A_226 = tpu.memref_slice %arg4[%parallel_loop3A_158, %parallel_loop3A_224, %parallel_loop3A_225] : memref<3x8x4096xf32, #tpu.memory_space<vmem>> -> memref<1x8x4096xf32, #tpu.memory_space<vmem>>
        %parallel_loop3A_227 = tpu.memref_squeeze %parallel_loop3A_226 : memref<1x8x4096xf32, #tpu.memory_space<vmem>> -> memref<8x4096xf32, #tpu.memory_space<vmem>>
        %parallel_loop3A_228 = arith.index_cast %parallel_loop3A_155 : i32 to index
        %parallel_loop3A_229 = arith.index_cast %parallel_loop3A_223 : i32 to index
        %parallel_loop3A_230 = tpu.vector_load %parallel_loop3A_227[%parallel_loop3A_228, %parallel_loop3A_229] {strides = array<i32>} : memref<8x4096xf32, #tpu.memory_space<vmem>>, vector<1x16xf32>,
        %parallel_loop3A_231 = vector.shape_cast %parallel_loop3A_230 : vector<1x16xf32> to vector<16xf32>
        %parallel_loop3A_232 = arith.addf %scan3A_182, %parallel_loop3A_231 : vector<16xf32>
        %parallel_loop3A_233 = arith.constant 64 : i32
        %parallel_loop3A_234 = arith.addi %parallel_loop3A_188, %parallel_loop3A_233 : i32
        %parallel_loop3A_235 = arith.constant 0 : i32
        %parallel_loop3A_236 = arith.constant 0 : i32
        %parallel_loop3A_237 = tpu.memref_slice %arg4[%parallel_loop3A_158, %parallel_loop3A_235, %parallel_loop3A_236] : memref<3x8x4096xf32, #tpu.memory_space<vmem>> -> memref<1x8x4096xf32, #tpu.memory_space<vmem>>
        %parallel_loop3A_238 = tpu.memref_squeeze %parallel_loop3A_237 : memref<1x8x4096xf32, #tpu.memory_space<vmem>> -> memref<8x4096xf32, #tpu.memory_space<vmem>>
        %parallel_loop3A_239 = arith.index_cast %parallel_loop3A_155 : i32 to index
        %parallel_loop3A_240 = arith.index_cast %parallel_loop3A_234 : i32 to index
        %parallel_loop3A_241 = tpu.vector_load %parallel_loop3A_238[%parallel_loop3A_239, %parallel_loop3A_240] {strides = array<i32>} : memref<8x4096xf32, #tpu.memory_space<vmem>>, vector<1x16xf32>,
        %parallel_loop3A_242 = vector.shape_cast %parallel_loop3A_241 : vector<1x16xf32> to vector<16xf32>
        %parallel_loop3A_243 = arith.addf %scan3A_183, %parallel_loop3A_242 : vector<16xf32>
        %parallel_loop3A_244 = arith.constant 80 : i32
        %parallel_loop3A_245 = arith.addi %parallel_loop3A_188, %parallel_loop3A_244 : i32
        %parallel_loop3A_246 = arith.constant 0 : i32
        %parallel_loop3A_247 = arith.constant 0 : i32
        %parallel_loop3A_248 = tpu.memref_slice %arg4[%parallel_loop3A_158, %parallel_loop3A_246, %parallel_loop3A_247] : memref<3x8x4096xf32, #tpu.memory_space<vmem>> -> memref<1x8x4096xf32, #tpu.memory_space<vmem>>
        %parallel_loop3A_249 = tpu.memref_squeeze %parallel_loop3A_248 : memref<1x8x4096xf32, #tpu.memory_space<vmem>> -> memref<8x4096xf32, #tpu.memory_space<vmem>>
        %parallel_loop3A_250 = arith.index_cast %parallel_loop3A_155 : i32 to index
        %parallel_loop3A_251 = arith.index_cast %parallel_loop3A_245 : i32 to index
        %parallel_loop3A_252 = tpu.vector_load %parallel_loop3A_249[%parallel_loop3A_250, %parallel_loop3A_251] {strides = array<i32>} : memref<8x4096xf32, #tpu.memory_space<vmem>>, vector<1x16xf32>,
        %parallel_loop3A_253 = vector.shape_cast %parallel_loop3A_252 : vector<1x16xf32> to vector<16xf32>
        %parallel_loop3A_254 = arith.addf %scan3A_184, %parallel_loop3A_253 : vector<16xf32>
        %parallel_loop3A_255 = arith.constant 96 : i32
        %parallel_loop3A_256 = arith.addi %parallel_loop3A_188, %parallel_loop3A_255 : i32
        %parallel_loop3A_257 = arith.constant 0 : i32
        %parallel_loop3A_258 = arith.constant 0 : i32
        %parallel_loop3A_259 = tpu.memref_slice %arg4[%parallel_loop3A_158, %parallel_loop3A_257, %parallel_loop3A_258] : memref<3x8x4096xf32, #tpu.memory_space<vmem>> -> memref<1x8x4096xf32, #tpu.memory_space<vmem>>
        %parallel_loop3A_260 = tpu.memref_squeeze %parallel_loop3A_259 : memref<1x8x4096xf32, #tpu.memory_space<vmem>> -> memref<8x4096xf32, #tpu.memory_space<vmem>>
        %parallel_loop3A_261 = arith.index_cast %parallel_loop3A_155 : i32 to index
        %parallel_loop3A_262 = arith.index_cast %parallel_loop3A_256 : i32 to index
        %parallel_loop3A_263 = tpu.vector_load %parallel_loop3A_260[%parallel_loop3A_261, %parallel_loop3A_262] {strides = array<i32>} : memref<8x4096xf32, #tpu.memory_space<vmem>>, vector<1x16xf32>,
        %parallel_loop3A_264 = vector.shape_cast %parallel_loop3A_263 : vector<1x16xf32> to vector<16xf32>
        %parallel_loop3A_265 = arith.addf %scan3A_185, %parallel_loop3A_264 : vector<16xf32>
        %parallel_loop3A_266 = arith.constant 112 : i32
        %parallel_loop3A_267 = arith.addi %parallel_loop3A_188, %parallel_loop3A_266 : i32
        %parallel_loop3A_268 = arith.constant 0 : i32
        %parallel_loop3A_269 = arith.constant 0 : i32
        %parallel_loop3A_270 = tpu.memref_slice %arg4[%parallel_loop3A_158, %parallel_loop3A_268, %parallel_loop3A_269] : memref<3x8x4096xf32, #tpu.memory_space<vmem>> -> memref<1x8x4096xf32, #tpu.memory_space<vmem>>
        %parallel_loop3A_271 = tpu.memref_squeeze %parallel_loop3A_270 : memref<1x8x4096xf32, #tpu.memory_space<vmem>> -> memref<8x4096xf32, #tpu.memory_space<vmem>>
        %parallel_loop3A_272 = arith.index_cast %parallel_loop3A_155 : i32 to index
        %parallel_loop3A_273 = arith.index_cast %parallel_loop3A_267 : i32 to index
        %parallel_loop3A_274 = tpu.vector_load %parallel_loop3A_271[%parallel_loop3A_272, %parallel_loop3A_273] {strides = array<i32>} : memref<8x4096xf32, #tpu.memory_space<vmem>>, vector<1x16xf32>,
        %parallel_loop3A_275 = vector.shape_cast %parallel_loop3A_274 : vector<1x16xf32> to vector<16xf32>
        %parallel_loop3A_276 = arith.addf %scan3A_186, %parallel_loop3A_275 : vector<16xf32>
        scf.yield %parallel_loop3A_199, %parallel_loop3A_210, %parallel_loop3A_221, %parallel_loop3A_232, %parallel_loop3A_243, %parallel_loop3A_254, %parallel_loop3A_265, %parallel_loop3A_276 : vector<16xf32>, vector<16xf32>, vector<16xf32>, vector<16xf32>, vector<16xf32>, vector<16xf32>, vector<16xf32>, vector<16xf32>
      }
      %parallel_loop3A_164 = arith.constant 32 : i32
      %parallel_loop3A_165 = arith.addf %parallel_loop3A_163#0, %parallel_loop3A_163#1 : vector<16xf32>
      %parallel_loop3A_166 = arith.addf %parallel_loop3A_163#2, %parallel_loop3A_163#3 : vector<16xf32>
      %parallel_loop3A_167 = arith.addf %parallel_loop3A_165, %parallel_loop3A_166 : vector<16xf32>
      %parallel_loop3A_168 = arith.addf %parallel_loop3A_163#4, %parallel_loop3A_163#5 : vector<16xf32>
      %parallel_loop3A_169 = arith.addf %parallel_loop3A_163#6, %parallel_loop3A_163#7 : vector<16xf32>
      %parallel_loop3A_170 = arith.addf %parallel_loop3A_168, %parallel_loop3A_169 : vector<16xf32>
      %parallel_loop3A_171 = arith.addf %parallel_loop3A_167, %parallel_loop3A_170 : vector<16xf32>
      %parallel_loop3A_172 = arith.constant 24 : i32
      %parallel_loop3A_173 = arith.addi %parallel_loop3A_172, %parallel_loop3A_155 : i32
      %parallel_loop3A_174 = arith.index_cast %parallel_loop3A_173 : i32 to index
      %parallel_loop3A_175 = arith.constant 0 : index
      %parallel_loop3A_176 = tpu.vector_load %arg5[%parallel_loop3A_174, %parallel_loop3A_175] {strides = array<i32>} : memref<40x16xf32, #tpu.memory_space<vmem>>, vector<1x16xf32>,
      %parallel_loop3A_177 = vector.shape_cast %parallel_loop3A_176 : vector<1x16xf32> to vector<16xf32>
      %parallel_loop3A_178 = vector.shape_cast %parallel_loop3A_171 : vector<16xf32> to vector<1x16xf32>
      tpu.vector_store %arg5[%parallel_loop3A_174, %parallel_loop3A_175], %parallel_loop3A_178 {strides = array<i32>} : memref<40x16xf32, #tpu.memory_space<vmem>>, vector<1x16xf32>,
    } {sc.loop_unroll_factor = 1 : i64, sc.parallel_access}
    %dma_wait3A_139 = arith.constant 1 : i32
    %dma_wait3A_140 = arith.constant 0 : i32
    %dma_wait3A_141 = arith.constant 0 : i32
    %dma_wait3A_142 = tpu.memref_slice %arg4[%dma_wait3A_139, %dma_wait3A_140, %dma_wait3A_141] : memref<3x8x4096xf32, #tpu.memory_space<vmem>> -> memref<1x8x4096xf32, #tpu.memory_space<vmem>>
    %dma_wait3A_143 = tpu.memref_squeeze %dma_wait3A_142 : memref<1x8x4096xf32, #tpu.memory_space<vmem>> -> memref<8x4096xf32, #tpu.memory_space<vmem>>
    %dma_wait3A_144 = arith.constant 0 : i32
    %dma_wait3A_145 = tpu.memref_slice %arg2[%add3A_106, %dma_wait3A_144] : memref<8192x4096xf32, #tpu.memory_space<hbm>> -> memref<8x4096xf32, #tpu.memory_space<hbm>>
    %dma_wait3A_146 = arith.constant 0 : i32
    %dma_wait3A_147 = arith.constant 0 : i32
    %dma_wait3A_148 = tpu.memref_slice %arg4[%dma_wait3A_139, %dma_wait3A_146, %dma_wait3A_147] : memref<3x8x4096xf32, #tpu.memory_space<vmem>> -> memref<1x8x4096xf32, #tpu.memory_space<vmem>>
    %dma_wait3A_149 = tpu.memref_squeeze %dma_wait3A_148 : memref<1x8x4096xf32, #tpu.memory_space<vmem>> -> memref<8x4096xf32, #tpu.memory_space<vmem>>
    %dma_wait3A_150 = arith.constant 0 : i32
    %dma_wait3A_151 = tpu.memref_slice %arg2[%add3A_106, %dma_wait3A_150] : memref<8192x4096xf32, #tpu.memory_space<hbm>> -> memref<8x4096xf32, #tpu.memory_space<hbm>>
    tpu.wait_dma2 semaphore(%arg7 : memref<!tpu.dma_semaphore, #tpu.memory_space<semaphore_mem>>) src(%dma_wait3A_151 : memref<8x4096xf32, #tpu.memory_space<hbm>>) dst(%dma_wait3A_149 : memref<8x4096xf32, #tpu.memory_space<vmem>>)
    %parallel_loop3A_152 = arith.constant 0 : i32
    %parallel_loop3A_153 = arith.constant 8 : i32
    %parallel_loop3A_154 = arith.constant 1 : i32
    scf.for %parallel_loop3A_155 = %parallel_loop3A_152 to %parallel_loop3A_153 step %parallel_loop3A_154  : i32 {
      %parallel_loop3A_156 = arith.constant 0.000000e+00 : f32
      %parallel_loop3A_157 = vector.broadcast %parallel_loop3A_156 : f32 to vector<16xf32>
      %parallel_loop3A_158 = arith.constant 1 : i32
      %parallel_loop3A_159 = arith.constant 0 : i32
      %parallel_loop3A_160 = arith.constant 32 : i32
      %parallel_loop3A_161 = arith.addi %parallel_loop3A_159, %parallel_loop3A_160 : i32
      %parallel_loop3A_162 = arith.constant 1 : i32
      %parallel_loop3A_163:8 = scf.for %scan3A = %parallel_loop3A_159 to %parallel_loop3A_161 step %parallel_loop3A_162 iter_args(%scan3A_179 = %parallel_loop3A_157, %scan3A_180 = %parallel_loop3A_157, %scan3A_181 = %parallel_loop3A_157, %scan3A_182 = %parallel_loop3A_157, %scan3A_183 = %parallel_loop3A_157, %scan3A_184 = %parallel_loop3A_157, %scan3A_185 = %parallel_loop3A_157, %scan3A_186 = %parallel_loop3A_157) -> (vector<16xf32>, vector<16xf32>, vector<16xf32>, vector<16xf32>, vector<16xf32>, vector<16xf32>, vector<16xf32>, vector<16xf32>)  : i32 {
        %parallel_loop3A_187 = arith.constant 128 : i32
        %parallel_loop3A_188 = arith.muli %scan3A, %parallel_loop3A_187 : i32
        %parallel_loop3A_189 = arith.constant 0 : i32
        %parallel_loop3A_190 = arith.addi %parallel_loop3A_188, %parallel_loop3A_189 : i32
        %parallel_loop3A_191 = arith.constant 0 : i32
        %parallel_loop3A_192 = arith.constant 0 : i32
        %parallel_loop3A_193 = tpu.memref_slice %arg4[%parallel_loop3A_158, %parallel_loop3A_191, %parallel_loop3A_192] : memref<3x8x4096xf32, #tpu.memory_space<vmem>> -> memref<1x8x4096xf32, #tpu.memory_space<vmem>>
        %parallel_loop3A_194 = tpu.memref_squeeze %parallel_loop3A_193 : memref<1x8x4096xf32, #tpu.memory_space<vmem>> -> memref<8x4096xf32, #tpu.memory_space<vmem>>
        %parallel_loop3A_195 = arith.index_cast %parallel_loop3A_155 : i32 to index
        %parallel_loop3A_196 = arith.index_cast %parallel_loop3A_190 : i32 to index
        %parallel_loop3A_197 = tpu.vector_load %parallel_loop3A_194[%parallel_loop3A_195, %parallel_loop3A_196] {strides = array<i32>} : memref<8x4096xf32, #tpu.memory_space<vmem>>, vector<1x16xf32>,
        %parallel_loop3A_198 = vector.shape_cast %parallel_loop3A_197 : vector<1x16xf32> to vector<16xf32>
        %parallel_loop3A_199 = arith.addf %scan3A_179, %parallel_loop3A_198 : vector<16xf32>
        %parallel_loop3A_200 = arith.constant 16 : i32
        %parallel_loop3A_201 = arith.addi %parallel_loop3A_188, %parallel_loop3A_200 : i32
        %parallel_loop3A_202 = arith.constant 0 : i32
        %parallel_loop3A_203 = arith.constant 0 : i32
        %parallel_loop3A_204 = tpu.memref_slice %arg4[%parallel_loop3A_158, %parallel_loop3A_202, %parallel_loop3A_203] : memref<3x8x4096xf32, #tpu.memory_space<vmem>> -> memref<1x8x4096xf32, #tpu.memory_space<vmem>>
        %parallel_loop3A_205 = tpu.memref_squeeze %parallel_loop3A_204 : memref<1x8x4096xf32, #tpu.memory_space<vmem>> -> memref<8x4096xf32, #tpu.memory_space<vmem>>
        %parallel_loop3A_206 = arith.index_cast %parallel_loop3A_155 : i32 to index
        %parallel_loop3A_207 = arith.index_cast %parallel_loop3A_201 : i32 to index
        %parallel_loop3A_208 = tpu.vector_load %parallel_loop3A_205[%parallel_loop3A_206, %parallel_loop3A_207] {strides = array<i32>} : memref<8x4096xf32, #tpu.memory_space<vmem>>, vector<1x16xf32>,
        %parallel_loop3A_209 = vector.shape_cast %parallel_loop3A_208 : vector<1x16xf32> to vector<16xf32>
        %parallel_loop3A_210 = arith.addf %scan3A_180, %parallel_loop3A_209 : vector<16xf32>
        %parallel_loop3A_211 = arith.constant 32 : i32
        %parallel_loop3A_212 = arith.addi %parallel_loop3A_188, %parallel_loop3A_211 : i32
        %parallel_loop3A_213 = arith.constant 0 : i32
        %parallel_loop3A_214 = arith.constant 0 : i32
        %parallel_loop3A_215 = tpu.memref_slice %arg4[%parallel_loop3A_158, %parallel_loop3A_213, %parallel_loop3A_214] : memref<3x8x4096xf32, #tpu.memory_space<vmem>> -> memref<1x8x4096xf32, #tpu.memory_space<vmem>>
        %parallel_loop3A_216 = tpu.memref_squeeze %parallel_loop3A_215 : memref<1x8x4096xf32, #tpu.memory_space<vmem>> -> memref<8x4096xf32, #tpu.memory_space<vmem>>
        %parallel_loop3A_217 = arith.index_cast %parallel_loop3A_155 : i32 to index
        %parallel_loop3A_218 = arith.index_cast %parallel_loop3A_212 : i32 to index
        %parallel_loop3A_219 = tpu.vector_load %parallel_loop3A_216[%parallel_loop3A_217, %parallel_loop3A_218] {strides = array<i32>} : memref<8x4096xf32, #tpu.memory_space<vmem>>, vector<1x16xf32>,
        %parallel_loop3A_220 = vector.shape_cast %parallel_loop3A_219 : vector<1x16xf32> to vector<16xf32>
        %parallel_loop3A_221 = arith.addf %scan3A_181, %parallel_loop3A_220 : vector<16xf32>
        %parallel_loop3A_222 = arith.constant 48 : i32
        %parallel_loop3A_223 = arith.addi %parallel_loop3A_188, %parallel_loop3A_222 : i32
        %parallel_loop3A_224 = arith.constant 0 : i32
        %parallel_loop3A_225 = arith.constant 0 : i32
        %parallel_loop3A_226 = tpu.memref_slice %arg4[%parallel_loop3A_158, %parallel_loop3A_224, %parallel_loop3A_225] : memref<3x8x4096xf32, #tpu.memory_space<vmem>> -> memref<1x8x4096xf32, #tpu.memory_space<vmem>>
        %parallel_loop3A_227 = tpu.memref_squeeze %parallel_loop3A_226 : memref<1x8x4096xf32, #tpu.memory_space<vmem>> -> memref<8x4096xf32, #tpu.memory_space<vmem>>
        %parallel_loop3A_228 = arith.index_cast %parallel_loop3A_155 : i32 to index
        %parallel_loop3A_229 = arith.index_cast %parallel_loop3A_223 : i32 to index
        %parallel_loop3A_230 = tpu.vector_load %parallel_loop3A_227[%parallel_loop3A_228, %parallel_loop3A_229] {strides = array<i32>} : memref<8x4096xf32, #tpu.memory_space<vmem>>, vector<1x16xf32>,
        %parallel_loop3A_231 = vector.shape_cast %parallel_loop3A_230 : vector<1x16xf32> to vector<16xf32>
        %parallel_loop3A_232 = arith.addf %scan3A_182, %parallel_loop3A_231 : vector<16xf32>
        %parallel_loop3A_233 = arith.constant 64 : i32
        %parallel_loop3A_234 = arith.addi %parallel_loop3A_188, %parallel_loop3A_233 : i32
        %parallel_loop3A_235 = arith.constant 0 : i32
        %parallel_loop3A_236 = arith.constant 0 : i32
        %parallel_loop3A_237 = tpu.memref_slice %arg4[%parallel_loop3A_158, %parallel_loop3A_235, %parallel_loop3A_236] : memref<3x8x4096xf32, #tpu.memory_space<vmem>> -> memref<1x8x4096xf32, #tpu.memory_space<vmem>>
        %parallel_loop3A_238 = tpu.memref_squeeze %parallel_loop3A_237 : memref<1x8x4096xf32, #tpu.memory_space<vmem>> -> memref<8x4096xf32, #tpu.memory_space<vmem>>
        %parallel_loop3A_239 = arith.index_cast %parallel_loop3A_155 : i32 to index
        %parallel_loop3A_240 = arith.index_cast %parallel_loop3A_234 : i32 to index
        %parallel_loop3A_241 = tpu.vector_load %parallel_loop3A_238[%parallel_loop3A_239, %parallel_loop3A_240] {strides = array<i32>} : memref<8x4096xf32, #tpu.memory_space<vmem>>, vector<1x16xf32>,
        %parallel_loop3A_242 = vector.shape_cast %parallel_loop3A_241 : vector<1x16xf32> to vector<16xf32>
        %parallel_loop3A_243 = arith.addf %scan3A_183, %parallel_loop3A_242 : vector<16xf32>
        %parallel_loop3A_244 = arith.constant 80 : i32
        %parallel_loop3A_245 = arith.addi %parallel_loop3A_188, %parallel_loop3A_244 : i32
        %parallel_loop3A_246 = arith.constant 0 : i32
        %parallel_loop3A_247 = arith.constant 0 : i32
        %parallel_loop3A_248 = tpu.memref_slice %arg4[%parallel_loop3A_158, %parallel_loop3A_246, %parallel_loop3A_247] : memref<3x8x4096xf32, #tpu.memory_space<vmem>> -> memref<1x8x4096xf32, #tpu.memory_space<vmem>>
        %parallel_loop3A_249 = tpu.memref_squeeze %parallel_loop3A_248 : memref<1x8x4096xf32, #tpu.memory_space<vmem>> -> memref<8x4096xf32, #tpu.memory_space<vmem>>
        %parallel_loop3A_250 = arith.index_cast %parallel_loop3A_155 : i32 to index
        %parallel_loop3A_251 = arith.index_cast %parallel_loop3A_245 : i32 to index
        %parallel_loop3A_252 = tpu.vector_load %parallel_loop3A_249[%parallel_loop3A_250, %parallel_loop3A_251] {strides = array<i32>} : memref<8x4096xf32, #tpu.memory_space<vmem>>, vector<1x16xf32>,
        %parallel_loop3A_253 = vector.shape_cast %parallel_loop3A_252 : vector<1x16xf32> to vector<16xf32>
        %parallel_loop3A_254 = arith.addf %scan3A_184, %parallel_loop3A_253 : vector<16xf32>
        %parallel_loop3A_255 = arith.constant 96 : i32
        %parallel_loop3A_256 = arith.addi %parallel_loop3A_188, %parallel_loop3A_255 : i32
        %parallel_loop3A_257 = arith.constant 0 : i32
        %parallel_loop3A_258 = arith.constant 0 : i32
        %parallel_loop3A_259 = tpu.memref_slice %arg4[%parallel_loop3A_158, %parallel_loop3A_257, %parallel_loop3A_258] : memref<3x8x4096xf32, #tpu.memory_space<vmem>> -> memref<1x8x4096xf32, #tpu.memory_space<vmem>>
        %parallel_loop3A_260 = tpu.memref_squeeze %parallel_loop3A_259 : memref<1x8x4096xf32, #tpu.memory_space<vmem>> -> memref<8x4096xf32, #tpu.memory_space<vmem>>
        %parallel_loop3A_261 = arith.index_cast %parallel_loop3A_155 : i32 to index
        %parallel_loop3A_262 = arith.index_cast %parallel_loop3A_256 : i32 to index
        %parallel_loop3A_263 = tpu.vector_load %parallel_loop3A_260[%parallel_loop3A_261, %parallel_loop3A_262] {strides = array<i32>} : memref<8x4096xf32, #tpu.memory_space<vmem>>, vector<1x16xf32>,
        %parallel_loop3A_264 = vector.shape_cast %parallel_loop3A_263 : vector<1x16xf32> to vector<16xf32>
        %parallel_loop3A_265 = arith.addf %scan3A_185, %parallel_loop3A_264 : vector<16xf32>
        %parallel_loop3A_266 = arith.constant 112 : i32
        %parallel_loop3A_267 = arith.addi %parallel_loop3A_188, %parallel_loop3A_266 : i32
        %parallel_loop3A_268 = arith.constant 0 : i32
        %parallel_loop3A_269 = arith.constant 0 : i32
        %parallel_loop3A_270 = tpu.memref_slice %arg4[%parallel_loop3A_158, %parallel_loop3A_268, %parallel_loop3A_269] : memref<3x8x4096xf32, #tpu.memory_space<vmem>> -> memref<1x8x4096xf32, #tpu.memory_space<vmem>>
        %parallel_loop3A_271 = tpu.memref_squeeze %parallel_loop3A_270 : memref<1x8x4096xf32, #tpu.memory_space<vmem>> -> memref<8x4096xf32, #tpu.memory_space<vmem>>
        %parallel_loop3A_272 = arith.index_cast %parallel_loop3A_155 : i32 to index
        %parallel_loop3A_273 = arith.index_cast %parallel_loop3A_267 : i32 to index
        %parallel_loop3A_274 = tpu.vector_load %parallel_loop3A_271[%parallel_loop3A_272, %parallel_loop3A_273] {strides = array<i32>} : memref<8x4096xf32, #tpu.memory_space<vmem>>, vector<1x16xf32>,
        %parallel_loop3A_275 = vector.shape_cast %parallel_loop3A_274 : vector<1x16xf32> to vector<16xf32>
        %parallel_loop3A_276 = arith.addf %scan3A_186, %parallel_loop3A_275 : vector<16xf32>
        scf.yield %parallel_loop3A_199, %parallel_loop3A_210, %parallel_loop3A_221, %parallel_loop3A_232, %parallel_loop3A_243, %parallel_loop3A_254, %parallel_loop3A_265, %parallel_loop3A_276 : vector<16xf32>, vector<16xf32>, vector<16xf32>, vector<16xf32>, vector<16xf32>, vector<16xf32>, vector<16xf32>, vector<16xf32>
      }
      %parallel_loop3A_164 = arith.constant 32 : i32
      %parallel_loop3A_165 = arith.addf %parallel_loop3A_163#0, %parallel_loop3A_163#1 : vector<16xf32>
      %parallel_loop3A_166 = arith.addf %parallel_loop3A_163#2, %parallel_loop3A_163#3 : vector<16xf32>
      %parallel_loop3A_167 = arith.addf %parallel_loop3A_165, %parallel_loop3A_166 : vector<16xf32>
      %parallel_loop3A_168 = arith.addf %parallel_loop3A_163#4, %parallel_loop3A_163#5 : vector<16xf32>
      %parallel_loop3A_169 = arith.addf %parallel_loop3A_163#6, %parallel_loop3A_163#7 : vector<16xf32>
      %parallel_loop3A_170 = arith.addf %parallel_loop3A_168, %parallel_loop3A_169 : vector<16xf32>
      %parallel_loop3A_171 = arith.addf %parallel_loop3A_167, %parallel_loop3A_170 : vector<16xf32>
      %parallel_loop3A_172 = arith.constant 32 : i32
      %parallel_loop3A_173 = arith.addi %parallel_loop3A_172, %parallel_loop3A_155 : i32
      %parallel_loop3A_174 = arith.index_cast %parallel_loop3A_173 : i32 to index
      %parallel_loop3A_175 = arith.constant 0 : index
      %parallel_loop3A_176 = tpu.vector_load %arg5[%parallel_loop3A_174, %parallel_loop3A_175] {strides = array<i32>} : memref<40x16xf32, #tpu.memory_space<vmem>>, vector<1x16xf32>,
      %parallel_loop3A_177 = vector.shape_cast %parallel_loop3A_176 : vector<1x16xf32> to vector<16xf32>
      %parallel_loop3A_178 = vector.shape_cast %parallel_loop3A_171 : vector<16xf32> to vector<1x16xf32>
      tpu.vector_store %arg5[%parallel_loop3A_174, %parallel_loop3A_175], %parallel_loop3A_178 {strides = array<i32>} : memref<40x16xf32, #tpu.memory_space<vmem>>, vector<1x16xf32>,
    } {sc.loop_unroll_factor = 1 : i64, sc.parallel_access}
    "tpu.region"() ({
      %run_scoped3A = tpu.sem_alloc : memref<!tpu.dma_semaphore, #tpu.memory_space<semaphore_mem>>
      %dma_start3A_155 = arith.constant 0 : i32
      %dma_start3A_156 = tpu.memref_slice %arg3[%mul3A_2, %dma_start3A_155] : memref<1280x16xf32, #tpu.memory_space<hbm>> -> memref<40x16xf32, #tpu.memory_space<hbm>>
      %dma_start3A_157 = arith.constant 0 : i32
      %dma_start3A_158 = tpu.memref_slice %arg3[%mul3A_2, %dma_start3A_157] : memref<1280x16xf32, #tpu.memory_space<hbm>> -> memref<40x16xf32, #tpu.memory_space<hbm>>
      tpu.enqueue_dma source(%arg5 : memref<40x16xf32, #tpu.memory_space<vmem>>) target(%dma_start3A_158 : memref<40x16xf32, #tpu.memory_space<hbm>>) target_semaphore(%run_scoped3A : memref<!tpu.dma_semaphore, #tpu.memory_space<semaphore_mem>>)
      %dma_wait3A_159 = arith.constant 0 : i32
      %dma_wait3A_160 = tpu.memref_slice %arg3[%mul3A_2, %dma_wait3A_159] : memref<1280x16xf32, #tpu.memory_space<hbm>> -> memref<40x16xf32, #tpu.memory_space<hbm>>
      %dma_wait3A_161 = arith.constant 0 : i32
      %dma_wait3A_162 = tpu.memref_slice %arg3[%mul3A_2, %dma_wait3A_161] : memref<1280x16xf32, #tpu.memory_space<hbm>> -> memref<40x16xf32, #tpu.memory_space<hbm>>
      tpu.wait_dma2 semaphore(%run_scoped3A : memref<!tpu.dma_semaphore, #tpu.memory_space<semaphore_mem>>) src(%arg5 : memref<40x16xf32, #tpu.memory_space<vmem>>) dst(%dma_wait3A_162 : memref<40x16xf32, #tpu.memory_space<hbm>>)
      tpu.yield
    }) : () -> ()
    return
  }
}

</mosaic_0001>

<sc_bundles>
// kernel: _rowsum_sc.3.cloned.1.call-start
scs
__scs_entry_jumppad:
0x0: {  	(pc) =	sbr.rel $0x88, $3  }
0x1: {  	(tag) =	ssettag $0x0;
	lr =	simm.s32 $0x1  }
0x2: {  	[smem:$0x3FA0] =	sst lr;
	_ =	strace $0xD0000000  }
0x3: {  	_ = 	snop  }
0x4: {  	_ = 	snop  }
0x5: {  	_ = 	snop  }
0x6: {  	_ = 	snop  }
0x7: {  	_ = 	snop  }
__scs_overlays_trampoline_lowered:
0x8: {  	[smem:$0x3FAF] =	sst s0  }
0x9: {  	[smem:$0x3FB0] =	sst s1  }
0xa: {  	[smem:$0x3FB1] =	sst s2  }
0xb: {  	[smem:$0x3FB2] =	sst s3  }
0xc: {  	[smem:$0x3FB3] =	sst s4  }
0xd: {  	[smem:$0x3FB4] =	sst s5  }
0xe: {  	[smem:$0x3FB5] =	sst s6  }
0xf: {  	[smem:$0x3FB6] =	sst s7  }
0x10: {  	[smem:$0x3FB7] =	sst s8  }
0x11: {  	[smem:$0x3FB8] =	sst s9;
	s0 =	simm.s32 @!p0 $0x0  }
0x12: {  	s1 =	sld [smem:$0x3F9E];
	s0 =	simm.s32 @p0 $0x1  }
0x13: {  	[smem:$0x3FB9] =	sst s0;
	s0 =	simm.s32 @!p1 $0x0  }
0x14: {  	s2 =	sld [smem:$0x3F9D];
	s0 =	simm.s32 @p1 $0x1  }
0x15: {  	[smem:$0x3FBA] =	sst s0;
	s0 =	simm.s32 @!p2 $0x0  }
0x16: {  	s3 =	sld [smem:$0x3FDB];
	s0 =	simm.s32 @p2 $0x1  }
0x17: {  	s4 =	simm.s32 $0x1BF5;
	[smem:$0x3FBC] =	sst s0  }
0x18: {  	s0 =	sld [smem:$0x3F9F];
	_ =	swait.ge [sflag:s4], $0x0  }
0x19: {  	s7 =	sld [smem:$0x3FA0]  }
0x1a: {  	s8 =	sadd.s32 $0xFFFFE003, lr  }
0x1b: {  	s9 =	sadd.s32 $0xFFFFFEF7, lr;
	s5 =	simm.s32 $0xFFFFFFFF;
	p2 =	slt.u32 s8, $0xFFFFF086  }
0x1c: {  	p1 =	slt.u32 s9, $0xF7A;
	s5 =	simm.s32 @!p2 $0x0  }
0x1d: {  	s5 =	simm.s32 @p1 $0x1;
	p0 =	seq.s32 s7, s2  }
0x1e: {  	s7 =	smul.u32 @!p0 $0xF7A, s2;
	p2 =	seq.s32 @!p0 s5, $0x0  }
0x1f: {  	s9 =	smul.u32 $0xF7A, s1;
	s8 =	simm.s32 @!p0 $0x1BF5;
	p2 =	por !p2, p0  }
0x20: {  	[sflag:s8] =	ssyncset.s32 @!p0 $0xFFFFF086;
	s6 =	sadd.s32 @!p0 s3, s7;
	s7 =	simm.s32 @!p0 $0x108  }
0x21: {  	s3 =	sadd.s32 s3, s9;
	s6 =	sadd.s32 @!p0 $0x88, s6;
	s7 =	simm.s32 @p2 $0x1082  }
0x22: {  	[simem:s7], [sflag:s8] =	dma.local @!p0 [hbm:s6], $0xF7A  }
0x23: {  	s9 =	sor.u32 $0xD0000000, s2;
	s6 =	simm.s32 $0x108;
	_ =	swait.ge @!p0 [sflag:s8], $0x0  }
0x24: {  	s3 =	sadd.s32 $0x88, s3;
	s6 =	simm.s32 @!p1 $0x1082;
	[sflag:s4] =	ssyncset.s32 $0xFFFFF086  }
0x25: {  	[simem:s6], [sflag:s4] =	dma.local [hbm:s3], $0xF7A  }
0x26: {  	[smem:$0x3FA0] =	sst s1;
	(tag) =	ssettag s2;
	_ =	strace s9  }
0x27: {  	s1 =	sld [smem:$0x3FB0]  }
0x28: {  	s2 =	sld [smem:$0x3FB1]  }
0x29: {  	s4 =	sld [smem:$0x3FB3]  }
0x2a: {  	p0 =	seq.s32 s5, $0x0;
	s5 =	sld [smem:$0x3FB4]  }
0x2b: {  	s6 =	sld [smem:$0x3FB5]  }
0x2c: {  	s7 =	sld [smem:$0x3FB6]  }
0x2d: {  	s3 =	simm.s32 $0x108;
	s8 =	sld [smem:$0x3FB7]  }
0x2e: {  	s3 =	simm.s32 @!p0 $0x1082;
	s9 =	sld [smem:$0x3FB8]  }
0x2f: {  	lr =	sadd.s32 s0, s3;
	s0 =	sld [smem:$0x3FAF]  }
0x30: {  	s3 =	sld [smem:$0x3FB2]  }
0x31: {  	[smem:$0x3FBB] =	sst s10  }
0x32: {  	s10 =	sld [smem:$0x3FB9];
	_ =	sdelay $0x3  }
0x33: {  	p0 =	seq.s32 s10, $0x1;
	s10 =	sld [smem:$0x3FBB];
	_ =	sdelay $0x3  }
0x34: {  	[smem:$0x3FBB] =	sst s10  }
0x35: {  	s10 =	sld [smem:$0x3FBA];
	_ =	sdelay $0x3  }
0x36: {  	p1 =	seq.s32 s10, $0x1;
	s10 =	sld [smem:$0x3FBB];
	_ =	sdelay $0x3  }
0x37: {  	[smem:$0x3FBB] =	sst s10  }
0x38: {  	s10 =	sld [smem:$0x3FBC]  }
0x39: {  	_ = 	snop;
	(pc) =	sbr.ind lr, $3  }
0x3a: {  	_ = 	snop  }
0x3b: {  	_ = 	snop  }
0x3c: {  	p2 =	seq.s32 s10, $0x1;
	s10 =	sld [smem:$0x3FBB]  }
0x3d: {  	_ =	shalt  }
0x3e: {  	_ =	shalt  }
0x3f: {  	_ =	shalt  }
0x40: {  	_ =	shalt  }
0x41: {  	_ =	shalt  }
0x42: {  	_ =	shalt  }
0x43: {  	_ =	shalt  }
0x44: {  	_ =	shalt  }
0x45: {  	_ =	shalt  }
0x46: {  	_ =	shalt  }
0x47: {  	_ =	shalt  }
0x48: {  	_ =	shalt  }
0x49: {  	_ =	shalt  }
0x4a: {  	_ =	shalt  }
0x4b: {  	_ =	shalt  }
0x4c: {  	_ =	shalt  }
0x4d: {  	_ =	shalt  }
0x4e: {  	_ =	shalt  }
0x4f: {  	_ =	shalt  }
0x50: {  	_ =	shalt  }
0x51: {  	_ =	shalt  }
0x52: {  	_ =	shalt  }
0x53: {  	_ =	shalt  }
0x54: {  	_ =	shalt  }
0x55: {  	_ =	shalt  }
0x56: {  	_ =	shalt  }
0x57: {  	_ =	shalt  }
0x58: {  	_ =	shalt  }
0x59: {  	_ =	shalt  }
0x5a: {  	_ =	shalt  }
0x5b: {  	_ =	shalt  }
0x5c: {  	_ =	shalt  }
0x5d: {  	_ =	shalt  }
0x5e: {  	_ =	shalt  }
0x5f: {  	_ =	shalt  }
0x60: {  	_ =	shalt  }
0x61: {  	_ =	shalt  }
0x62: {  	_ =	shalt  }
0x63: {  	_ =	shalt  }
0x64: {  	_ =	shalt  }
0x65: {  	_ =	shalt  }
0x66: {  	_ =	shalt  }
0x67: {  	_ =	shalt  }
0x68: {  	_ =	shalt  }
0x69: {  	_ =	shalt  }
0x6a: {  	_ =	shalt  }
0x6b: {  	_ =	shalt  }
0x6c: {  	_ =	shalt  }
0x6d: {  	_ =	shalt  }
0x6e: {  	_ =	shalt  }
0x6f: {  	_ =	shalt  }
0x70: {  	_ =	shalt  }
0x71: {  	_ =	shalt  }
0x72: {  	_ =	shalt  }
0x73: {  	_ =	shalt  }
0x74: {  	_ =	shalt  }
0x75: {  	_ =	shalt  }
0x76: {  	_ =	shalt  }
0x77: {  	_ =	shalt  }
0x78: {  	_ =	shalt  }
0x79: {  	_ =	shalt  }
0x7a: {  	_ =	shalt  }
0x7b: {  	_ =	shalt  }
0x7c: {  	_ =	shalt  }
0x7d: {  	_ =	shalt  }
0x7e: {  	_ =	shalt  }
0x7f: {  	_ =	shalt  }
0x80: {  	_ =	shalt  }
0x81: {  	_ =	shalt  }
0x82: {  	_ =	shalt  }
0x83: {  	_ =	shalt  }
0x84: {  	_ =	shalt  }
0x85: {  	_ =	shalt  }
0x86: {  	_ =	shalt  }
0x87: {  	_ =	shalt  }
.Lfunc_end0:
.L_simem_size_0:
called_computation_lowered:
.L_overlay_start_0:
0x88: {  	s2 =	sld [smem:$0x3FD9]  }
0x89: {  	s3 =	sld [smem:$0x3FFE];
	_ =	sdelay $0x1  }
0x8a: {  	s1 =	srdreg.scid  }
0x8b: {  	s0 =	sand.u32 $0x1, s1  }
0x8c: {  	s17 =	sshll.u32 s0, $0xA;
	s2 =	sadd.s32 s3, s2  }
0x8d: {  	s2 =	sadd.s32 s2, s17  }
0x8e: {  	[smem:$0x3FC7] =	sst s2  }
0x8f: {  	_ = 	snop  }
0x90: {  	s2 =	sld [smem:$0x3FC9];
	(tm) =	ssettm $0x1  }
0x91: {  	s18 =	sld [smem:$0x3FFB];
	_ =	sdelay $0x3  }
0x92: {  	_ =	strace s18  }
0x93: {  	s3 =	sld [smem:$0x3FFC];
	_ =	sdelay $0x3  }
0x94: {  	_ =	strace s3  }
0x95: {  	s3 =	sld [smem:$0x3FFD];
	_ =	sdelay $0x3  }
0x96: {  	_ =	strace s3  }
0x97: {  	_ =	strace $0x8FFFFFFF  }
0x98: {  	s19 =	sld [smem:$0x3FDB];
	_ =	sdelay $0x1  }
0x99: {  	s4 =	simm.s32 $_scs_section_size  }
0x9a: {  	s5 =	simm.s32 $_size__tile_overlayer_lowered;
	s6 =	simm.s32 $_tile_overlayer_lowered  }
0x9b: {  	s22 =	simm.s32 $0x1BFF;
	s21 =	sshll.u32 s6, $0x1;
	s3 =	sadd.s32 s4, s19  }
0x9c: {  	s7 =	simm.s32 $0x0;
	s20 =	sshll.u32 s5, $0x1;
	s5 =	sadd.s32 s21, s3  }
0x9d: {  	[timem:s7], [sflag:s22] =	dma.local [hbm:s5], s20  }
0x9e: {  	_ =	swait.ge [sflag:s22], s20  }
0x9f: {  	s4 =	ssub.s32 $0x0, s20;
	[sflag:s22] =	ssyncset.done $0x0  }
0xa0: {  	[sflag:s22] =	ssyncadd.s32 s4;
	_ =	sdelay $0x1  }
0xa1: {  	s23 =	simm.s32 $0x1B8B  }
0xa2: {  	_ =	swait.ge [sflag:s23], $0x1  }
0xa3: {  	[sflag:s23] =	ssyncset.done $0x0  }
0xa4: {  	s25 =	simm.s32 $0x1B8E;
	s24 =	sld [smem:$0x3FFE];
	[sflag:s23] =	ssyncadd.s32 $0xFFFFFFFF  }
0xa5: {  	s26 =	simm.s32 $execute0_lowered;
	[smem:$0x3FD2] =	sst s25  }
0xa6: {  	s5 =	sshll.u32 s26, $0x1;
	_ =	strace $0x80000046;
	[dreg:$0x1] =	wrdreg $0xFFFFFFFF  }
0xa7: {  	s28 =	simm.s32 $_size_execute0_lowered;
	s3 =	sadd.s32 s3, s5;
	[dreg:$0x0] =	wrdreg $0x0  }
0xa8: {  	s5 =	sshll.u32 s28, $0x1;
	[dreg:$0x2] =	wrdreg s3  }
0xa9: {  	[dreg:$0x3] =	wrdreg s5  }
0xaa: {  	[dreg:$0x4] =	wrdreg $0xC0  }
0xab: {  	_ =	task [dreg:s7], $0x5FFFF  }
0xac: {  	[dreg:$0x1] =	wrdreg $0xFFFFFFFF  }
0xad: {  	[dreg:$0x0] =	wrdreg $0x60  }
0xae: {  	[dreg:$0x2] =	wrdreg s2  }
0xaf: {  	[dreg:$0x3] =	wrdreg s24  }
0xb0: {  	[dreg:$0x4] =	wrdreg $0x9  }
0xb1: {  	_ =	task.clear_ibuf [dreg:s7], $0x5FFFF;
	_ =	strace $0x90000046  }
0xb2: {  	s29 =	simm.s32 $0x9;
	_ =	strace $0x80000048  }
0xb3: {  	_ =	swait.ge [sflag:s29], $0x1  }
0xb4: {  	[sflag:s29] =	ssyncadd.s32 $0xFFFFFFFF  }
0xb5: {  	_ =	strace $0x90000048  }
0xb6: {  	_ =	sfence  }
0xb7: {  	s30 =	sld [smem:$0x0];
	_ =	sdelay $0x2  }
0xb8: {  	s31 =	sshll.u32 s1, $0xD;
	s1 =	sshrl.u32 s1, $0x2  }
0xb9: {  	s3 =	sand.u32 $0x4000, s31;
	s1 =	sadd.s32 s1, s30  }
0xba: {  	s0 =	sor.u32 s3, s0;
	s1 =	sshll.u32 s1, $0x11  }
0xbb: {  	s0 =	sor.u32 s1, s0  }
0xbc: {  	s0 =	sadd.s32 $0x8F2B, s0  }
0xbd: {  	[sflag:s0] =	ssyncadd.remote.s32 $0x1  }
0xbe: {  	_ =	sfence.sel $0xFFFF  }
0xbf: {  	[dreg:$0x0] =	wrdreg $0xFFFFFFFF;
	(pc) =	sbr.abs _section_cstart, $3  }
0xc0: {  	[dreg:$0x1] =	wrdreg $0xFFFFFFFF  }
0xc1: {  	_ =	task.clear_ibuf [dreg:s7], $0x2FFFF;
	_ =	strace $0x9FFFFFFF  }
0xc2: {  	(tm) =	ssettm $0x7FFFFFFF  }
0xc3: {  	_ =	shalt  }
tec
execute0_lowered:
.L_overlay_start_1:
0x0: {  	(tag) =	ssettag $0x1  }
0x1: {  	s3 =	rddreg [dreg:$0x0];
	s1 =	srdreg.scid  }
0x2: {  	s0 =	stileid.u32;
	s4 =	rddreg [dreg:$0x1];
	s2 =	simm.s32 $0x0  }
0x3: {  	s10 =	simm.s32 $0x8000;
	s11 =	simm.s32 $0x1;
	s12 =	simm.s32 $0x10000  }
0x4: {  	s13 =	simm.s32 $0x2;
	s14 =	simm.s32 $0x3;
	s15 =	simm.s32 $0x18000  }
0x5: {  	s16 =	simm.s32 $0x4;
	s5 =	sand.u32 $0x1, s1;
	s6 =	sshll.u32 s0, $0x1  }
0x6: {  	s17 =	simm.s32 $0x0;
	s1 =	rddreg [dreg:$0x2];
	s6 =	sor.u32 s5, s6  }
0x7: {  	[smem:$0x7FF] =	sst s2;
	s5 =	ssub.s32 $0x2, s5;
	s7 =	smul.u32 $0x28000, s6  }
0x8: {  	_ =	strace $0x80000047;
	s8 =	smul.u32 $0x280, s6;
	s9 =	sshrl.u32 s5, $0x1  }
0x9: {  	s6 =	smul.u32 $0x5000, s6;
	s9 =	ssub.s32 s5, s9;
	s7 =	sshrl.u32 s7, $0x3  }
0xa: {  	s8 =	sadd.s32 s8, s4;
	s9 =	smax.u32 s9, $0x1;
	s7 =	sadd.s32 s3, s7  }
0xb: {  	s3 =	sadd.s32 s3, s6;
	s8 =	sadd.s32 $0x400, s8;
	s4 =	sadd.s32 $0x1000, s7  }
0xc: {  	s5 =	sadd.s32 $0x2000, s7;
	s6 =	sadd.s32 $0x3000, s7;
	s7 =	sadd.s32 $0x4000, s7  }
.LBB2_1:
0xd: {  	[tilespmem:s2], [sflag:$0x1] =	stream.linear.gather [hbm4b:s3+s2], $0x8000, $0x38;
	[tilespmem:$0x19400] =	vst v63  }
0xe: {  	_ = 	snop  }
0xf: {  	[tilespmem:s10], [sflag:$0x2] =	stream.linear.gather [hbm4b:s4+s2], $0x8000, $0x38;
	[tilespmem:$0x19400] =	vst v63  }
0x10: {  	_ =	swait.ge [sflag:s11], $0x8000  }
0x11: {  	[sflag:s11] =	ssyncset.done $0x0  }
0x12: {  	s18 =	simm.s32 $0x40;
	s19 =	simm.s32 $0x0;
	[sflag:s11] =	ssyncadd.s32 $0xFFFF8000  }
0x13: {  	[tilespmem:s12], [sflag:$0x3] =	stream.linear.gather [hbm4b:s5+s2], $0x8000, $0x38;
	[tilespmem:$0x19400] =	vst v63  }
.LBB2_2:
0x14: {  	v0 =	vmov s18;
	_ =	sdelay $0x3  }
0x15: {  	s23 =	simm.s32 $0x0  }
0x16: {  	v1 =	vld.idx.msk [tilespmem:v0+s23+$0x30 ss:$0x1], $0xffff  }
0x17: {  	v2 =	vld.idx.msk [tilespmem:v0+s23+$0xFFFFFFC0 ss:$0x1], $0xffff  }
0x18: {  	v4 =	vld.idx.msk [tilespmem:v0+s23+$0xFFFFFFD0 ss:$0x1], $0xffff  }
0x19: {  	v5 =	vld.idx.msk [tilespmem:v0+s23+$0xFFFFFFE0 ss:$0x1], $0xffff  }
0x1a: {  	v6 =	vld.idx.msk [tilespmem:v0+s23+$0xFFFFFFF0 ss:$0x1], $0xffff  }
0x1b: {  	v3 =	vimm.f32 $0.0e+00;
	v10 =	vimm.f32 $0.0e+00;
	v7 =	vld.idx.msk [tilespmem:v0+s23+$0x0 ss:$0x1], $0xffff  }
0x1c: {  	v9 =	vimm.f32 $0.0e+00;
	v13 =	vimm.f32 $0.0e+00;
	v11 =	vimm.f32 $0.0e+00;
	v8 =	vld.idx.msk [tilespmem:v0+s23+$0x10 ss:$0x1], $0xffff  }
0x1d: {  	s20 =	sshll.u32 s19, $0x9;
	s21 =	simm.s32 $0x400;
	s22 =	simm.s32 $0x2000;
	v12 =	vimm.f32 $0.0e+00;
	v14 =	vld.idx.msk [tilespmem:v0+s23+$0x20 ss:$0x1], $0xffff;
	v1 =	vadd.f32 v1, v3;
	v2 =	vadd.f32 v2, v3  }
.LBB2_3:
0x1e: {  	p0 =	sne.s32 s22, $0x1F000;
	v15 =	vld.idx.msk [tilespmem:v0+s21+$0x30 ss:$0x1], $0xffff;
	v3 =	vadd.f32 v4, v3  }
0x1f: {  	v10 =	vadd.f32 v5, v10;
	v16 =	vld.idx.msk [tilespmem:v0+s21+$0xFFFFFFC0 ss:$0x1], $0xffff  }
0x20: {  	v9 =	vadd.f32 v6, v9;
	v4 =	vld.idx.msk [tilespmem:v0+s21+$0xFFFFFFD0 ss:$0x1], $0xffff  }
.Ltmp0:
0x21: {  	v13 =	vadd.f32 v7, v13;
	v5 =	vld.idx.msk [tilespmem:v0+s21+$0xFFFFFFE0 ss:$0x1], $0xffff;
	(pc) =	sbr.rel @p0 .LBB2_3-.Ltmp0, $4  }
0x22: {  	v11 =	vadd.f32 v8, v11;
	v6 =	vld.idx.msk [tilespmem:v0+s21+$0xFFFFFFF0 ss:$0x1], $0xffff  }
0x23: {  	v12 =	vadd.f32 v14, v12;
	v7 =	vld.idx.msk [tilespmem:v0+s21+$0x0 ss:$0x1], $0xffff  }
0x24: {  	v1 =	vadd.f32 v15, v1;
	v8 =	vld.idx.msk [tilespmem:v0+s21+$0x10 ss:$0x1], $0xffff  }
0x25: {  	v2 =	vadd.f32 v16, v2;
	v14 =	vld.idx.msk [tilespmem:v0+s21+$0x20 ss:$0x1], $0xffff;
	s21 =	sshra.s32 s22, $0x2;
	s22 =	sadd.s32 $0x1000, s22  }
0x26: {  	_ =	sdelay $0x3  }
0x27: {  	v15 =	vld.idx.msk [tilespmem:v0+s21+$0x30 ss:$0x1], $0xffff  }
0x28: {  	v16 =	vld.idx.msk [tilespmem:v0+s21+$0xFFFFFFC0 ss:$0x1], $0xffff  }
0x29: {  	v17 =	vld.idx.msk [tilespmem:v0+s21+$0xFFFFFFD0 ss:$0x1], $0xffff  }
0x2a: {  	v18 =	vld.idx.msk [tilespmem:v0+s21+$0xFFFFFFE0 ss:$0x1], $0xffff  }
0x2b: {  	v19 =	vld.idx.msk [tilespmem:v0+s21+$0xFFFFFFF0 ss:$0x1], $0xffff  }
0x2c: {  	v20 =	vld.idx.msk [tilespmem:v0+s21+$0x0 ss:$0x1], $0xffff  }
0x2d: {  	v3 =	vadd.f32 v4, v3;
	v57 =	vadd.f32 v5, v10;
	v58 =	vld.idx.msk [tilespmem:v0+s21+$0x10 ss:$0x1], $0xffff  }
0x2e: {  	v59 =	vld.idx.msk [tilespmem:v0+s21+$0x20 ss:$0x1], $0xffff;
	v6 =	vadd.f32 v6, v9;
	v7 =	vadd.f32 v7, v13  }
0x2f: {  	v8 =	vadd.f32 v8, v11;
	v60 =	vadd.f32 v14, v12  }
0x30: {  	v1 =	vadd.f32 v15, v1;
	v2 =	vadd.f32 v16, v2  }
0x31: {  	v3 =	vadd.f32 v17, v3;
	v4 =	vadd.f32 v18, v57  }
0x32: {  	v6 =	vadd.f32 v19, v6;
	v7 =	vadd.f32 v20, v7  }
0x33: {  	v5 =	vadd.f32 v58, v8;
	v0 =	vadd.f32 v59, v60  }
0x34: {  	v2 =	vadd.f32 v3, v2;
	v61 =	vadd.f32 v6, v4  }
0x35: {  	s19 =	sadd.s32 $0x1, s19;
	v62 =	vadd.f32 v5, v7;
	v0 =	vadd.f32 v1, v0  }
0x36: {  	p0 =	sne.s32 s19, $0x8  }
.Ltmp1:
0x37: {  	v63 =	vadd.f32 v61, v2;
	v0 =	vadd.f32 v0, v62;
	(pc) =	sbr.rel @p0 .LBB2_2-.Ltmp1, $4  }
0x38: {  	_ = 	snop  }
0x39: {  	v0 =	vadd.f32 v0, v63  }
0x3a: {  	s20 =	sshrl.u32 s20, $0x2  }
0x3b: {  	s18 =	sadd.s32 $0x80, s18;
	[tilespmem:s20+$0x18000] =	vst v0  }
0x3c: {  	_ =	swait.ge [sflag:s13], $0x8000  }
0x3d: {  	[sflag:s13] =	ssyncset.done $0x0  }
0x3e: {  	s18 =	simm.s32 $0x0;
	s19 =	simm.s32 $0x0;
	[sflag:s13] =	ssyncadd.s32 $0xFFFF8000  }
0x3f: {  	[tilespmem:s18], [sflag:$0x1] =	stream.linear.gather [hbm4b:s6+s18], $0x8000, $0x38;
	[tilespmem:$0x19400] =	vst v63  }
.LBB2_6:
0x40: {  	v0 =	vmov s18;
	_ =	sdelay $0x3  }
0x41: {  	s23 =	simm.s32 $0x0  }
0x42: {  	v1 =	vld.idx.msk [tilespmem:v0+s23+$0x8070 ss:$0x1], $0xffff  }
0x43: {  	v2 =	vld.idx.msk [tilespmem:v0+s23+$0x8000 ss:$0x1], $0xffff  }
0x44: {  	v4 =	vld.idx.msk [tilespmem:v0+s23+$0x8010 ss:$0x1], $0xffff  }
0x45: {  	v5 =	vld.idx.msk [tilespmem:v0+s23+$0x8020 ss:$0x1], $0xffff  }
0x46: {  	v6 =	vld.idx.msk [tilespmem:v0+s23+$0x8030 ss:$0x1], $0xffff  }
0x47: {  	v3 =	vimm.f32 $0.0e+00;
	v10 =	vimm.f32 $0.0e+00;
	v7 =	vld.idx.msk [tilespmem:v0+s23+$0x8040 ss:$0x1], $0xffff  }
0x48: {  	v9 =	vimm.f32 $0.0e+00;
	v13 =	vimm.f32 $0.0e+00;
	v11 =	vimm.f32 $0.0e+00;
	v8 =	vld.idx.msk [tilespmem:v0+s23+$0x8050 ss:$0x1], $0xffff  }
0x49: {  	s20 =	sshll.u32 s19, $0x9;
	s21 =	simm.s32 $0x400;
	s22 =	simm.s32 $0x2000;
	v12 =	vimm.f32 $0.0e+00;
	v14 =	vld.idx.msk [tilespmem:v0+s23+$0x8060 ss:$0x1], $0xffff;
	v1 =	vadd.f32 v1, v3;
	v2 =	vadd.f32 v2, v3  }
.LBB2_7:
0x4a: {  	p0 =	sne.s32 s22, $0x1F000;
	v15 =	vld.idx.msk [tilespmem:v0+s21+$0x8070 ss:$0x1], $0xffff;
	v3 =	vadd.f32 v4, v3  }
0x4b: {  	v10 =	vadd.f32 v5, v10;
	v16 =	vld.idx.msk [tilespmem:v0+s21+$0x8000 ss:$0x1], $0xffff  }
0x4c: {  	v9 =	vadd.f32 v6, v9;
	v4 =	vld.idx.msk [tilespmem:v0+s21+$0x8010 ss:$0x1], $0xffff  }
.Ltmp2:
0x4d: {  	v13 =	vadd.f32 v7, v13;
	v5 =	vld.idx.msk [tilespmem:v0+s21+$0x8020 ss:$0x1], $0xffff;
	(pc) =	sbr.rel @p0 .LBB2_7-.Ltmp2, $4  }
0x4e: {  	v11 =	vadd.f32 v8, v11;
	v6 =	vld.idx.msk [tilespmem:v0+s21+$0x8030 ss:$0x1], $0xffff  }
0x4f: {  	v12 =	vadd.f32 v14, v12;
	v7 =	vld.idx.msk [tilespmem:v0+s21+$0x8040 ss:$0x1], $0xffff  }
0x50: {  	v1 =	vadd.f32 v15, v1;
	v8 =	vld.idx.msk [tilespmem:v0+s21+$0x8050 ss:$0x1], $0xffff  }
0x51: {  	v2 =	vadd.f32 v16, v2;
	v14 =	vld.idx.msk [tilespmem:v0+s21+$0x8060 ss:$0x1], $0xffff;
	s21 =	sshra.s32 s22, $0x2;
	s22 =	sadd.s32 $0x1000, s22  }
0x52: {  	_ =	sdelay $0x3  }
0x53: {  	v15 =	vld.idx.msk [tilespmem:v0+s21+$0x8070 ss:$0x1], $0xffff  }
0x54: {  	v16 =	vld.idx.msk [tilespmem:v0+s21+$0x8000 ss:$0x1], $0xffff  }
0x55: {  	v17 =	vld.idx.msk [tilespmem:v0+s21+$0x8010 ss:$0x1], $0xffff  }
0x56: {  	v18 =	vld.idx.msk [tilespmem:v0+s21+$0x8020 ss:$0x1], $0xffff  }
0x57: {  	v19 =	vld.idx.msk [tilespmem:v0+s21+$0x8030 ss:$0x1], $0xffff  }
0x58: {  	v20 =	vld.idx.msk [tilespmem:v0+s21+$0x8040 ss:$0x1], $0xffff  }
0x59: {  	v3 =	vadd.f32 v4, v3;
	v57 =	vadd.f32 v5, v10;
	v58 =	vld.idx.msk [tilespmem:v0+s21+$0x8050 ss:$0x1], $0xffff  }
0x5a: {  	v59 =	vld.idx.msk [tilespmem:v0+s21+$0x8060 ss:$0x1], $0xffff;
	v6 =	vadd.f32 v6, v9;
	v7 =	vadd.f32 v7, v13  }
0x5b: {  	v8 =	vadd.f32 v8, v11;
	v60 =	vadd.f32 v14, v12  }
0x5c: {  	v1 =	vadd.f32 v15, v1;
	v2 =	vadd.f32 v16, v2  }
0x5d: {  	v3 =	vadd.f32 v17, v3;
	v4 =	vadd.f32 v18, v57  }
0x5e: {  	v6 =	vadd.f32 v19, v6;
	v7 =	vadd.f32 v20, v7  }
0x5f: {  	v5 =	vadd.f32 v58, v8;
	v0 =	vadd.f32 v59, v60  }
0x60: {  	v2 =	vadd.f32 v3, v2;
	v61 =	vadd.f32 v6, v4  }
0x61: {  	s19 =	sadd.s32 $0x1, s19;
	v62 =	vadd.f32 v5, v7;
	v0 =	vadd.f32 v1, v0  }
0x62: {  	p0 =	sne.s32 s19, $0x8  }
.Ltmp3:
0x63: {  	v63 =	vadd.f32 v61, v2;
	v0 =	vadd.f32 v0, v62;
	(pc) =	sbr.rel @p0 .LBB2_6-.Ltmp3, $4  }
0x64: {  	_ = 	snop  }
0x65: {  	v0 =	vadd.f32 v0, v63  }
0x66: {  	s20 =	sshrl.u32 s20, $0x2  }
0x67: {  	s18 =	sadd.s32 $0x80, s18;
	[tilespmem:s20+$0x18400] =	vst v0  }
0x68: {  	_ =	swait.ge [sflag:s14], $0x8000  }
0x69: {  	[sflag:s14] =	ssyncset.done $0x0  }
0x6a: {  	s18 =	simm.s32 $0x0;
	s19 =	simm.s32 $0x0;
	[sflag:s14] =	ssyncadd.s32 $0xFFFF8000  }
0x6b: {  	[tilespmem:s10], [sflag:$0x2] =	stream.linear.gather [hbm4b:s7+s18], $0x8000, $0x38;
	[tilespmem:$0x19400] =	vst v63  }
.LBB2_10:
0x6c: {  	v0 =	vmov s18;
	_ =	sdelay $0x3  }
0x6d: {  	s23 =	simm.s32 $0x0  }
0x6e: {  	v1 =	vld.idx.msk [tilespmem:v0+s23+$0x10070 ss:$0x1], $0xffff  }
0x6f: {  	v2 =	vld.idx.msk [tilespmem:v0+s23+$0x10000 ss:$0x1], $0xffff  }
0x70: {  	v4 =	vld.idx.msk [tilespmem:v0+s23+$0x10010 ss:$0x1], $0xffff  }
0x71: {  	v5 =	vld.idx.msk [tilespmem:v0+s23+$0x10020 ss:$0x1], $0xffff  }
0x72: {  	v6 =	vld.idx.msk [tilespmem:v0+s23+$0x10030 ss:$0x1], $0xffff  }
0x73: {  	v3 =	vimm.f32 $0.0e+00;
	v10 =	vimm.f32 $0.0e+00;
	v7 =	vld.idx.msk [tilespmem:v0+s23+$0x10040 ss:$0x1], $0xffff  }
0x74: {  	v9 =	vimm.f32 $0.0e+00;
	v13 =	vimm.f32 $0.0e+00;
	v11 =	vimm.f32 $0.0e+00;
	v8 =	vld.idx.msk [tilespmem:v0+s23+$0x10050 ss:$0x1], $0xffff  }
0x75: {  	s20 =	sshll.u32 s19, $0x9;
	s21 =	simm.s32 $0x400;
	s22 =	simm.s32 $0x2000;
	v12 =	vimm.f32 $0.0e+00;
	v14 =	vld.idx.msk [tilespmem:v0+s23+$0x10060 ss:$0x1], $0xffff;
	v1 =	vadd.f32 v1, v3;
	v2 =	vadd.f32 v2, v3  }
.LBB2_11:
0x76: {  	p0 =	sne.s32 s22, $0x1F000;
	v15 =	vld.idx.msk [tilespmem:v0+s21+$0x10070 ss:$0x1], $0xffff;
	v3 =	vadd.f32 v4, v3  }
0x77: {  	v10 =	vadd.f32 v5, v10;
	v16 =	vld.idx.msk [tilespmem:v0+s21+$0x10000 ss:$0x1], $0xffff  }
0x78: {  	v9 =	vadd.f32 v6, v9;
	v4 =	vld.idx.msk [tilespmem:v0+s21+$0x10010 ss:$0x1], $0xffff  }
.Ltmp4:
0x79: {  	v13 =	vadd.f32 v7, v13;
	v5 =	vld.idx.msk [tilespmem:v0+s21+$0x10020 ss:$0x1], $0xffff;
	(pc) =	sbr.rel @p0 .LBB2_11-.Ltmp4, $4  }
0x7a: {  	v11 =	vadd.f32 v8, v11;
	v6 =	vld.idx.msk [tilespmem:v0+s21+$0x10030 ss:$0x1], $0xffff  }
0x7b: {  	v12 =	vadd.f32 v14, v12;
	v7 =	vld.idx.msk [tilespmem:v0+s21+$0x10040 ss:$0x1], $0xffff  }
0x7c: {  	v1 =	vadd.f32 v15, v1;
	v8 =	vld.idx.msk [tilespmem:v0+s21+$0x10050 ss:$0x1], $0xffff  }
0x7d: {  	v2 =	vadd.f32 v16, v2;
	v14 =	vld.idx.msk [tilespmem:v0+s21+$0x10060 ss:$0x1], $0xffff;
	s21 =	sshra.s32 s22, $0x2;
	s22 =	sadd.s32 $0x1000, s22  }
0x7e: {  	_ =	sdelay $0x3  }
0x7f: {  	v15 =	vld.idx.msk [tilespmem:v0+s21+$0x10070 ss:$0x1], $0xffff  }
0x80: {  	v16 =	vld.idx.msk [tilespmem:v0+s21+$0x10000 ss:$0x1], $0xffff  }
0x81: {  	v17 =	vld.idx.msk [tilespmem:v0+s21+$0x10010 ss:$0x1], $0xffff  }
0x82: {  	v18 =	vld.idx.msk [tilespmem:v0+s21+$0x10020 ss:$0x1], $0xffff  }
0x83: {  	v19 =	vld.idx.msk [tilespmem:v0+s21+$0x10030 ss:$0x1], $0xffff  }
0x84: {  	v20 =	vld.idx.msk [tilespmem:v0+s21+$0x10040 ss:$0x1], $0xffff  }
0x85: {  	v3 =	vadd.f32 v4, v3;
	v57 =	vadd.f32 v5, v10;
	v58 =	vld.idx.msk [tilespmem:v0+s21+$0x10050 ss:$0x1], $0xffff  }
0x86: {  	v59 =	vld.idx.msk [tilespmem:v0+s21+$0x10060 ss:$0x1], $0xffff;
	v6 =	vadd.f32 v6, v9;
	v7 =	vadd.f32 v7, v13  }
0x87: {  	v8 =	vadd.f32 v8, v11;
	v60 =	vadd.f32 v14, v12  }
0x88: {  	v1 =	vadd.f32 v15, v1;
	v2 =	vadd.f32 v16, v2  }
0x89: {  	v3 =	vadd.f32 v17, v3;
	v4 =	vadd.f32 v18, v57  }
0x8a: {  	v6 =	vadd.f32 v19, v6;
	v7 =	vadd.f32 v20, v7  }
0x8b: {  	v5 =	vadd.f32 v58, v8;
	v0 =	vadd.f32 v59, v60  }
0x8c: {  	v2 =	vadd.f32 v3, v2;
	v61 =	vadd.f32 v6, v4  }
0x8d: {  	s19 =	sadd.s32 $0x1, s19;
	v62 =	vadd.f32 v5, v7;
	v0 =	vadd.f32 v1, v0  }
0x8e: {  	p0 =	sne.s32 s19, $0x8  }
.Ltmp5:
0x8f: {  	v63 =	vadd.f32 v61, v2;
	v0 =	vadd.f32 v0, v62;
	(pc) =	sbr.rel @p0 .LBB2_10-.Ltmp5, $4  }
0x90: {  	_ = 	snop  }
0x91: {  	v0 =	vadd.f32 v0, v63  }
0x92: {  	s20 =	sshrl.u32 s20, $0x2  }
0x93: {  	s18 =	sadd.s32 $0x80, s18;
	[tilespmem:s20+$0x18800] =	vst v0  }
0x94: {  	_ =	swait.ge [sflag:s11], $0x8000  }
0x95: {  	[sflag:s11] =	ssyncset.done $0x0  }
0x96: {  	s18 =	simm.s32 $0x0;
	s19 =	simm.s32 $0x40;
	[sflag:s11] =	ssyncadd.s32 $0xFFFF8000  }
.LBB2_14:
0x97: {  	v0 =	vmov s19;
	_ =	sdelay $0x3  }
0x98: {  	s23 =	simm.s32 $0x0  }
0x99: {  	v1 =	vld.idx.msk [tilespmem:v0+s23+$0x30 ss:$0x1], $0xffff  }
0x9a: {  	v2 =	vld.idx.msk [tilespmem:v0+s23+$0xFFFFFFC0 ss:$0x1], $0xffff  }
0x9b: {  	v4 =	vld.idx.msk [tilespmem:v0+s23+$0xFFFFFFD0 ss:$0x1], $0xffff  }
0x9c: {  	v5 =	vld.idx.msk [tilespmem:v0+s23+$0xFFFFFFE0 ss:$0x1], $0xffff  }
0x9d: {  	v6 =	vld.idx.msk [tilespmem:v0+s23+$0xFFFFFFF0 ss:$0x1], $0xffff  }
0x9e: {  	v3 =	vimm.f32 $0.0e+00;
	v10 =	vimm.f32 $0.0e+00;
	v7 =	vld.idx.msk [tilespmem:v0+s23+$0x0 ss:$0x1], $0xffff  }
0x9f: {  	v9 =	vimm.f32 $0.0e+00;
	v13 =	vimm.f32 $0.0e+00;
	v11 =	vimm.f32 $0.0e+00;
	v8 =	vld.idx.msk [tilespmem:v0+s23+$0x10 ss:$0x1], $0xffff  }
0xa0: {  	s20 =	sshll.u32 s18, $0x9;
	s21 =	simm.s32 $0x400;
	s22 =	simm.s32 $0x2000;
	v12 =	vimm.f32 $0.0e+00;
	v14 =	vld.idx.msk [tilespmem:v0+s23+$0x20 ss:$0x1], $0xffff;
	v1 =	vadd.f32 v1, v3;
	v2 =	vadd.f32 v2, v3  }
.LBB2_15:
0xa1: {  	p0 =	sne.s32 s22, $0x1F000;
	v15 =	vld.idx.msk [tilespmem:v0+s21+$0x30 ss:$0x1], $0xffff;
	v3 =	vadd.f32 v4, v3  }
0xa2: {  	v10 =	vadd.f32 v5, v10;
	v16 =	vld.idx.msk [tilespmem:v0+s21+$0xFFFFFFC0 ss:$0x1], $0xffff  }
0xa3: {  	v9 =	vadd.f32 v6, v9;
	v4 =	vld.idx.msk [tilespmem:v0+s21+$0xFFFFFFD0 ss:$0x1], $0xffff  }
.Ltmp6:
0xa4: {  	v13 =	vadd.f32 v7, v13;
	v5 =	vld.idx.msk [tilespmem:v0+s21+$0xFFFFFFE0 ss:$0x1], $0xffff;
	(pc) =	sbr.rel @p0 .LBB2_15-.Ltmp6, $4  }
0xa5: {  	v11 =	vadd.f32 v8, v11;
	v6 =	vld.idx.msk [tilespmem:v0+s21+$0xFFFFFFF0 ss:$0x1], $0xffff  }
0xa6: {  	v12 =	vadd.f32 v14, v12;
	v7 =	vld.idx.msk [tilespmem:v0+s21+$0x0 ss:$0x1], $0xffff  }
0xa7: {  	v1 =	vadd.f32 v15, v1;
	v8 =	vld.idx.msk [tilespmem:v0+s21+$0x10 ss:$0x1], $0xffff  }
0xa8: {  	v2 =	vadd.f32 v16, v2;
	v14 =	vld.idx.msk [tilespmem:v0+s21+$0x20 ss:$0x1], $0xffff;
	s21 =	sshra.s32 s22, $0x2;
	s22 =	sadd.s32 $0x1000, s22  }
0xa9: {  	_ =	sdelay $0x3  }
0xaa: {  	v15 =	vld.idx.msk [tilespmem:v0+s21+$0x30 ss:$0x1], $0xffff  }
0xab: {  	v16 =	vld.idx.msk [tilespmem:v0+s21+$0xFFFFFFC0 ss:$0x1], $0xffff  }
0xac: {  	v17 =	vld.idx.msk [tilespmem:v0+s21+$0xFFFFFFD0 ss:$0x1], $0xffff  }
0xad: {  	v18 =	vld.idx.msk [tilespmem:v0+s21+$0xFFFFFFE0 ss:$0x1], $0xffff  }
0xae: {  	v19 =	vld.idx.msk [tilespmem:v0+s21+$0xFFFFFFF0 ss:$0x1], $0xffff  }
0xaf: {  	v20 =	vld.idx.msk [tilespmem:v0+s21+$0x0 ss:$0x1], $0xffff  }
0xb0: {  	v3 =	vadd.f32 v4, v3;
	v57 =	vadd.f32 v5, v10;
	v58 =	vld.idx.msk [tilespmem:v0+s21+$0x10 ss:$0x1], $0xffff  }
0xb1: {  	v59 =	vld.idx.msk [tilespmem:v0+s21+$0x20 ss:$0x1], $0xffff;
	v6 =	vadd.f32 v6, v9;
	v7 =	vadd.f32 v7, v13  }
0xb2: {  	v8 =	vadd.f32 v8, v11;
	v60 =	vadd.f32 v14, v12  }
0xb3: {  	v1 =	vadd.f32 v15, v1;
	v2 =	vadd.f32 v16, v2  }
0xb4: {  	v3 =	vadd.f32 v17, v3;
	v4 =	vadd.f32 v18, v57  }
0xb5: {  	v6 =	vadd.f32 v19, v6;
	v7 =	vadd.f32 v20, v7  }
0xb6: {  	v5 =	vadd.f32 v58, v8;
	v0 =	vadd.f32 v59, v60  }
0xb7: {  	v2 =	vadd.f32 v3, v2;
	v61 =	vadd.f32 v6, v4  }
0xb8: {  	s18 =	sadd.s32 $0x1, s18;
	v62 =	vadd.f32 v5, v7;
	v0 =	vadd.f32 v1, v0  }
0xb9: {  	p0 =	sne.s32 s18, $0x8  }
.Ltmp7:
0xba: {  	v63 =	vadd.f32 v61, v2;
	v0 =	vadd.f32 v0, v62;
	(pc) =	sbr.rel @p0 .LBB2_14-.Ltmp7, $4  }
0xbb: {  	_ = 	snop  }
0xbc: {  	v0 =	vadd.f32 v0, v63  }
0xbd: {  	s20 =	sshrl.u32 s20, $0x2  }
0xbe: {  	s19 =	sadd.s32 $0x80, s19;
	[tilespmem:s20+$0x18C00] =	vst v0  }
0xbf: {  	_ =	swait.ge [sflag:s13], $0x8000  }
0xc0: {  	[sflag:s13] =	ssyncset.done $0x0  }
0xc1: {  	s18 =	simm.s32 $0x0;
	s19 =	simm.s32 $0x0;
	[sflag:s13] =	ssyncadd.s32 $0xFFFF8000  }
.LBB2_18:
0xc2: {  	v0 =	vmov s18;
	_ =	sdelay $0x3  }
0xc3: {  	s23 =	simm.s32 $0x0  }
0xc4: {  	v1 =	vld.idx.msk [tilespmem:v0+s23+$0x8070 ss:$0x1], $0xffff  }
0xc5: {  	v2 =	vld.idx.msk [tilespmem:v0+s23+$0x8000 ss:$0x1], $0xffff  }
0xc6: {  	v4 =	vld.idx.msk [tilespmem:v0+s23+$0x8010 ss:$0x1], $0xffff  }
0xc7: {  	v5 =	vld.idx.msk [tilespmem:v0+s23+$0x8020 ss:$0x1], $0xffff  }
0xc8: {  	v6 =	vld.idx.msk [tilespmem:v0+s23+$0x8030 ss:$0x1], $0xffff  }
0xc9: {  	v3 =	vimm.f32 $0.0e+00;
	v10 =	vimm.f32 $0.0e+00;
	v7 =	vld.idx.msk [tilespmem:v0+s23+$0x8040 ss:$0x1], $0xffff  }
0xca: {  	v9 =	vimm.f32 $0.0e+00;
	v13 =	vimm.f32 $0.0e+00;
	v11 =	vimm.f32 $0.0e+00;
	v8 =	vld.idx.msk [tilespmem:v0+s23+$0x8050 ss:$0x1], $0xffff  }
0xcb: {  	s20 =	sshll.u32 s19, $0x9;
	s21 =	simm.s32 $0x400;
	s22 =	simm.s32 $0x2000;
	v12 =	vimm.f32 $0.0e+00;
	v14 =	vld.idx.msk [tilespmem:v0+s23+$0x8060 ss:$0x1], $0xffff;
	v1 =	vadd.f32 v1, v3;
	v2 =	vadd.f32 v2, v3  }
.LBB2_19:
0xcc: {  	p0 =	sne.s32 s22, $0x1F000;
	v15 =	vld.idx.msk [tilespmem:v0+s21+$0x8070 ss:$0x1], $0xffff;
	v3 =	vadd.f32 v4, v3  }
0xcd: {  	v10 =	vadd.f32 v5, v10;
	v16 =	vld.idx.msk [tilespmem:v0+s21+$0x8000 ss:$0x1], $0xffff  }
0xce: {  	v9 =	vadd.f32 v6, v9;
	v4 =	vld.idx.msk [tilespmem:v0+s21+$0x8010 ss:$0x1], $0xffff  }
.Ltmp8:
0xcf: {  	v13 =	vadd.f32 v7, v13;
	v5 =	vld.idx.msk [tilespmem:v0+s21+$0x8020 ss:$0x1], $0xffff;
	(pc) =	sbr.rel @p0 .LBB2_19-.Ltmp8, $4  }
0xd0: {  	v11 =	vadd.f32 v8, v11;
	v6 =	vld.idx.msk [tilespmem:v0+s21+$0x8030 ss:$0x1], $0xffff  }
0xd1: {  	v12 =	vadd.f32 v14, v12;
	v7 =	vld.idx.msk [tilespmem:v0+s21+$0x8040 ss:$0x1], $0xffff  }
0xd2: {  	v1 =	vadd.f32 v15, v1;
	v8 =	vld.idx.msk [tilespmem:v0+s21+$0x8050 ss:$0x1], $0xffff  }
0xd3: {  	v2 =	vadd.f32 v16, v2;
	v14 =	vld.idx.msk [tilespmem:v0+s21+$0x8060 ss:$0x1], $0xffff;
	s21 =	sshra.s32 s22, $0x2;
	s22 =	sadd.s32 $0x1000, s22  }
0xd4: {  	_ =	sdelay $0x3  }
0xd5: {  	v15 =	vld.idx.msk [tilespmem:v0+s21+$0x8070 ss:$0x1], $0xffff  }
0xd6: {  	v16 =	vld.idx.msk [tilespmem:v0+s21+$0x8000 ss:$0x1], $0xffff  }
0xd7: {  	v17 =	vld.idx.msk [tilespmem:v0+s21+$0x8010 ss:$0x1], $0xffff  }
0xd8: {  	v18 =	vld.idx.msk [tilespmem:v0+s21+$0x8020 ss:$0x1], $0xffff  }
0xd9: {  	v19 =	vld.idx.msk [tilespmem:v0+s21+$0x8030 ss:$0x1], $0xffff  }
0xda: {  	v20 =	vld.idx.msk [tilespmem:v0+s21+$0x8040 ss:$0x1], $0xffff  }
0xdb: {  	v3 =	vadd.f32 v4, v3;
	v57 =	vadd.f32 v5, v10;
	v58 =	vld.idx.msk [tilespmem:v0+s21+$0x8050 ss:$0x1], $0xffff  }
0xdc: {  	v59 =	vld.idx.msk [tilespmem:v0+s21+$0x8060 ss:$0x1], $0xffff;
	v6 =	vadd.f32 v6, v9;
	v7 =	vadd.f32 v7, v13  }
0xdd: {  	v8 =	vadd.f32 v8, v11;
	v60 =	vadd.f32 v14, v12  }
0xde: {  	v1 =	vadd.f32 v15, v1;
	v2 =	vadd.f32 v16, v2  }
0xdf: {  	v3 =	vadd.f32 v17, v3;
	v4 =	vadd.f32 v18, v57  }
0xe0: {  	v6 =	vadd.f32 v19, v6;
	v7 =	vadd.f32 v20, v7  }
0xe1: {  	v5 =	vadd.f32 v58, v8;
	v0 =	vadd.f32 v59, v60  }
0xe2: {  	v2 =	vadd.f32 v3, v2;
	v61 =	vadd.f32 v6, v4  }
0xe3: {  	s19 =	sadd.s32 $0x1, s19;
	v62 =	vadd.f32 v5, v7;
	v0 =	vadd.f32 v1, v0  }
0xe4: {  	p0 =	sne.s32 s19, $0x8  }
.Ltmp9:
0xe5: {  	v63 =	vadd.f32 v61, v2;
	v0 =	vadd.f32 v0, v62;
	(pc) =	sbr.rel @p0 .LBB2_18-.Ltmp9, $4  }
0xe6: {  	_ = 	snop  }
0xe7: {  	v0 =	vadd.f32 v0, v63  }
0xe8: {  	s20 =	sshrl.u32 s20, $0x2  }
0xe9: {  	s18 =	sadd.s32 $0x80, s18;
	[tilespmem:s20+$0x19000] =	vst v0  }
0xea: {  	s17 =	sadd.s32 $0x1, s17  }
0xeb: {  	p0 =	sne.s32 s17, s9  }
.Ltmp10:
0xec: {  	_ = 	snop;
	(pc) =	sbr.rel @p0 .LBB2_1-.Ltmp10, $4  }
0xed: {  	[hbm4b:s8+s2] =	stream.linear.scatter [tilespmem:s15], [sflag:$0x4], $0x1400, $0x38;
	[tilespmem:$0x19400] =	vst v63  }
0xee: {  	_ =	swait.ge [sflag:s16], $0x1400  }
0xef: {  	[sflag:s16] =	ssyncset.done $0x0  }
0xf0: {  	[sflag:s16] =	ssyncadd.s32 $0xFFFFEC00  }
0xf1: {  	_ =	sfence.sel $0x180000  }
0xf2: {  	[bflag:$0x0] =	sbarrier.arrive $0xFFFF  }
0xf3: {  	p0 =	sne.s32 s0, $0x0;
	_ =	strace $0x90000047  }
0xf4: {  	s0 =	sadd.s32 @!p0 $0x100000, s1;
	[bflag:$0x2] =	sbarrier.arrive $0xFFFF  }
0xf5: {  	[sflag:s0] =	ssyncadd.tile.s32 @!p0 $0x1;
	_ =	shalt  }
.Lfunc_end2:
_tile_overlayer_lowered:
.L_overlay_start_2:
0xf6: {  	(tag) =	ssettag $0x2  }
0xf7: {  	s0 =	rddreg [dreg:$0x0];
	s2 =	stileid.u32  }
0xf8: {  	s1 =	rddreg [dreg:$0x1];
	p0 =	sne.s32 s2, $0x0  }
0xf9: {  	s3 =	rddreg [dreg:$0x2];
	[bflag:$0x3] =	sbarrier.arrive $0xFFFF;
	s2 =	simm.s32 @!p0 $0x1C04  }
0xfa: {  	[timem:s3], [sflag:s2] =	dma.local @!p0 [hbm:s0], s1  }
0xfb: {  	s0 =	simm.s32 @!p0 $0x4  }
0xfc: {  	_ =	swait.ge @!p0 [sflag:s0], s1  }
0xfd: {  	s1 =	ssub.s32 @!p0 $0x0, s1;
	[sflag:s0] =	ssyncset.done @!p0 $0x0  }
0xfe: {  	[sflag:s0] =	ssyncadd.s32 @!p0 s1  }
0xff: {  	[bflag:$0x3] =	sbarrier.arrive $0xFFFF  }
0x100: {  	_ =	shalt  }

</sc_bundles>
